<compile_context>
chip_gen: v7x
topology: tpu7x:2x2x1
jax: 0.10.2.dev20260603
libtpu: 0.0.44.dev20260713+nightly
codegen_flags: <defaults>
</compile_context>

<pallas_src>
import dataclasses
import functools

import jax
import jax.numpy as jnp
from jax import lax
from jax.experimental import pallas as pl
from jax.experimental.pallas import tpu as pltpu
from jax.experimental.pallas import tpu_sc as plsc

_NUM_CLASSES = 1000
_BATCH = 16384

_INFO = plsc.get_sparse_core_info()
_NC = _INFO.num_cores
_NS = _INFO.num_subcores
_NW = _NC * _NS
_ROWS_PER_W = _BATCH // _NW
_CHUNK = 32
_NCHUNK = _ROWS_PER_W // _CHUNK
_NBUF = 3


def _sc_body(x_hbm, z_hbm, o_hbm, idx_v, b0, b1, b2, s0, s1, s2):
    bufs = (b0, b1, b2)
    sems = (s0, s1, s2)
    wid = lax.axis_index("s") * _NC + lax.axis_index("c")
    base = wid * _ROWS_PER_W

    pltpu.sync_copy(x_hbm.at[pl.ds(base, _ROWS_PER_W)], idx_v)
    for k in range(_NBUF):
        pltpu.sync_copy(z_hbm, bufs[k])

    lane = lax.broadcasted_iota(jnp.int32, (16,), 0)
    ones = jnp.ones((16,), jnp.float32)
    zeros = jnp.zeros((16,), jnp.float32)

    def scatter_chunk(c, buf, vals):
        for half in range(_CHUNK // 16):
            ids = idx_v[pl.ds(c * _CHUNK + half * 16, 16)]
            rows = lane + (half * 16)
            plsc.store_scatter(buf, [rows, ids], vals)

    for c in range(_NCHUNK):
        k = c % _NBUF
        if c >= _NBUF:
            pltpu.make_async_copy(
                bufs[k],
                o_hbm.at[pl.ds(base + (c - _NBUF) * _CHUNK, _CHUNK)],
                sems[k],
            ).wait()
            scatter_chunk(c - _NBUF, bufs[k], zeros)
        scatter_chunk(c, bufs[k], ones)
        pltpu.async_copy(
            bufs[k],
            o_hbm.at[pl.ds(base + c * _CHUNK, _CHUNK)],
            sems[k],
        )

    for c in range(_NCHUNK - _NBUF, _NCHUNK):
        k = c % _NBUF
        pltpu.make_async_copy(
            bufs[k],
            o_hbm.at[pl.ds(base + c * _CHUNK, _CHUNK)],
            sems[k],
        ).wait()


def kernel(x1):
    x = x1.astype(jnp.int32)
    z = jnp.zeros((_CHUNK, _NUM_CLASSES), jnp.float32)
    mesh = plsc.VectorSubcoreMesh(core_axis_name="c", subcore_axis_name="s")
    cp = pltpu.CompilerParams()
    if "needs_layout_passes" in pltpu.CompilerParams.__dataclass_fields__:
        cp = dataclasses.replace(cp, needs_layout_passes=False)
    k = functools.partial(
        pl.kernel,
        mesh=mesh,
        compiler_params=cp,
        out_type=jax.ShapeDtypeStruct((_BATCH, _NUM_CLASSES), jnp.float32),
        scratch_types=[
            pltpu.VMEM((_ROWS_PER_W,), jnp.int32),
            pltpu.VMEM((_CHUNK, _NUM_CLASSES), jnp.float32),
            pltpu.VMEM((_CHUNK, _NUM_CLASSES), jnp.float32),
            pltpu.VMEM((_CHUNK, _NUM_CLASSES), jnp.float32),
            pltpu.SemaphoreType.DMA,
            pltpu.SemaphoreType.DMA,
            pltpu.SemaphoreType.DMA,
        ],
    )(_sc_body)
    return k(x, z)

# --- scband reference (transcript-rebuilt; emitter-appended) ---
"""Pipeline reference for scband-one-hot-74423193305432 (READ-ONLY COPY).

The authoritative reference and input builder live on the scoring server;
editing this copy changes nothing except your own understanding.
"""

import jax, jax.numpy as jnp
import numpy as np

NUM_CLASSES = 1000
BATCH = 16384

def setup_inputs(seed: int = 0) -> dict:
    key = jax.random.key(seed)
    # The torch module maps raw categorical values through a `classes` dict to
    # integer ids. We model the post-lookup integer ids directly: the classes
    # dict is an identity mapping {i: i for i in range(NUM_CLASSES)}, so the
    # int indices below are exactly what `torch.Tensor([...]).long()` produces.
    x1 = jax.random.randint(key, (BATCH,), 0, NUM_CLASSES, dtype=jnp.int64)
    return {"x1": x1}

def reference(x1) -> jnp.ndarray:
    # Faithful translation of:
    #   longs = torch.Tensor([self.classes[x] for x in x1]).long()
    #   return F.one_hot(longs, num_classes=len(self.classes)).float()
    # With an identity classes dict, longs == x1.
    longs = x1.astype(jnp.int32)
    return jax.nn.one_hot(longs, NUM_CLASSES, dtype=jnp.float32)

if __name__ == "__main__":
    import jax
    _d = setup_inputs()
    print(jax.jit(kernel)(*tuple(_d.values())))

</pallas_src>

<mosaic_0001>
#map = affine_map<(d0, d1) -> (0)>
#map1 = affine_map<(d0, d1) -> (0, 0)>
module attributes {stable_mosaic.version = 14 : i64} {
  func.func @_sc_body(%arg0: i32, %arg1: i32, %arg2: memref<16384xi32, #tpu.memory_space<hbm>>, %arg3: memref<32x1000xf32, #tpu.memory_space<hbm>>, %arg4: memref<16384x1000xf32, #tpu.memory_space<hbm>>, %arg5: memref<512xi32, #tpu.memory_space<vmem>>, %arg6: memref<32x1000xf32, #tpu.memory_space<vmem>>, %arg7: memref<32x1000xf32, #tpu.memory_space<vmem>>, %arg8: memref<32x1000xf32, #tpu.memory_space<vmem>>, %arg9: memref<!tpu.dma_semaphore, #tpu.memory_space<semaphore_mem>>, %arg10: memref<!tpu.dma_semaphore, #tpu.memory_space<semaphore_mem>>, %arg11: memref<!tpu.dma_semaphore, #tpu.memory_space<semaphore_mem>>) attributes {dimension_semantics = [#tpu.dimension_semantics<core_parallel>, #tpu.dimension_semantics<subcore_parallel>], iteration_bounds = array<i64: 2, 16>, scalar_prefetch = 0 : i64, scratch_operands = 7 : i64, tpu.core_type = #tpu.core_type<sc_vector_subcore>, window_params = [{transform_indices = #map}, {transform_indices = #map1}, {transform_indices = #map1}]} {
    %mul3A = arith.constant 2 : i32
    %mul3A_0 = arith.muli %arg1, %mul3A : i32
    %add3A = arith.addi %mul3A_0, %arg0 : i32
    %mul3A_1 = arith.constant 512 : i32
    %mul3A_2 = arith.muli %add3A, %mul3A_1 : i32
    "tpu.region"() ({
      %run_scoped3A = tpu.sem_alloc : memref<!tpu.dma_semaphore, #tpu.memory_space<semaphore_mem>>
      %dma_start3A_485 = tpu.memref_slice %arg2[%mul3A_2] : memref<16384xi32, #tpu.memory_space<hbm>> -> memref<512xi32, #tpu.memory_space<hbm>>
      %dma_start3A_486 = tpu.memref_slice %arg2[%mul3A_2] : memref<16384xi32, #tpu.memory_space<hbm>> -> memref<512xi32, #tpu.memory_space<hbm>>
      tpu.enqueue_dma source(%dma_start3A_486 : memref<512xi32, #tpu.memory_space<hbm>>) target(%arg5 : memref<512xi32, #tpu.memory_space<vmem>>) target_semaphore(%run_scoped3A : memref<!tpu.dma_semaphore, #tpu.memory_space<semaphore_mem>>)
      %dma_wait3A_487 = tpu.memref_slice %arg2[%mul3A_2] : memref<16384xi32, #tpu.memory_space<hbm>> -> memref<512xi32, #tpu.memory_space<hbm>>
      %dma_wait3A_488 = tpu.memref_slice %arg2[%mul3A_2] : memref<16384xi32, #tpu.memory_space<hbm>> -> memref<512xi32, #tpu.memory_space<hbm>>
      tpu.wait_dma2 semaphore(%run_scoped3A : memref<!tpu.dma_semaphore, #tpu.memory_space<semaphore_mem>>) src(%dma_wait3A_488 : memref<512xi32, #tpu.memory_space<hbm>>) dst(%arg5 : memref<512xi32, #tpu.memory_space<vmem>>)
      tpu.yield
    }) : () -> ()
    "tpu.region"() ({
      %run_scoped3A = tpu.sem_alloc : memref<!tpu.dma_semaphore, #tpu.memory_space<semaphore_mem>>
      tpu.enqueue_dma source(%arg3 : memref<32x1000xf32, #tpu.memory_space<hbm>>) target(%arg6 : memref<32x1000xf32, #tpu.memory_space<vmem>>) target_semaphore(%run_scoped3A : memref<!tpu.dma_semaphore, #tpu.memory_space<semaphore_mem>>)
      tpu.wait_dma2 semaphore(%run_scoped3A : memref<!tpu.dma_semaphore, #tpu.memory_space<semaphore_mem>>) src(%arg3 : memref<32x1000xf32, #tpu.memory_space<hbm>>) dst(%arg6 : memref<32x1000xf32, #tpu.memory_space<vmem>>)
      tpu.yield
    }) : () -> ()
    "tpu.region"() ({
      %run_scoped3A = tpu.sem_alloc : memref<!tpu.dma_semaphore, #tpu.memory_space<semaphore_mem>>
      tpu.enqueue_dma source(%arg3 : memref<32x1000xf32, #tpu.memory_space<hbm>>) target(%arg7 : memref<32x1000xf32, #tpu.memory_space<vmem>>) target_semaphore(%run_scoped3A : memref<!tpu.dma_semaphore, #tpu.memory_space<semaphore_mem>>)
      tpu.wait_dma2 semaphore(%run_scoped3A : memref<!tpu.dma_semaphore, #tpu.memory_space<semaphore_mem>>) src(%arg3 : memref<32x1000xf32, #tpu.memory_space<hbm>>) dst(%arg7 : memref<32x1000xf32, #tpu.memory_space<vmem>>)
      tpu.yield
    }) : () -> ()
    "tpu.region"() ({
      %run_scoped3A = tpu.sem_alloc : memref<!tpu.dma_semaphore, #tpu.memory_space<semaphore_mem>>
      tpu.enqueue_dma source(%arg3 : memref<32x1000xf32, #tpu.memory_space<hbm>>) target(%arg8 : memref<32x1000xf32, #tpu.memory_space<vmem>>) target_semaphore(%run_scoped3A : memref<!tpu.dma_semaphore, #tpu.memory_space<semaphore_mem>>)
      tpu.wait_dma2 semaphore(%run_scoped3A : memref<!tpu.dma_semaphore, #tpu.memory_space<semaphore_mem>>) src(%arg3 : memref<32x1000xf32, #tpu.memory_space<hbm>>) dst(%arg8 : memref<32x1000xf32, #tpu.memory_space<vmem>>)
      tpu.yield
    }) : () -> ()
    %iota3A = tpu.iota {dimensions = array<i32: 0>} : vector<16xi32>
    %broadcast_in_dim3A = arith.constant 1.000000e+00 : f32
    %broadcast_in_dim3A_3 = vector.broadcast %broadcast_in_dim3A : f32 to vector<16xf32>
    %broadcast_in_dim3A_4 = arith.constant 0.000000e+00 : f32
    %broadcast_in_dim3A_5 = vector.broadcast %broadcast_in_dim3A_4 : f32 to vector<16xf32>
    %get3A = arith.constant 0 : index
    %get3A_6 = tpu.vector_load %arg5[%get3A] {strides = array<i32>} : memref<512xi32, #tpu.memory_space<vmem>>, vector<16xi32>,
    %add3A_7 = arith.constant 0 : i32
    %add3A_8 = vector.broadcast %add3A_7 : i32 to vector<16xi32>
    %add3A_9 = arith.addi %iota3A, %add3A_8 : vector<16xi32>
    tpu.vector_store_idx %arg6[%add3A_9, %get3A_6], %broadcast_in_dim3A_3 : memref<32x1000xf32, #tpu.memory_space<vmem>>[vector<16xi32>, vector<16xi32>], vector<16xf32>,
    %get3A_10 = arith.constant 16 : index
    %get3A_11 = tpu.vector_load %arg5[%get3A_10] {strides = array<i32>} : memref<512xi32, #tpu.memory_space<vmem>>, vector<16xi32>,
    %add3A_12 = arith.constant 16 : i32
    %add3A_13 = vector.broadcast %add3A_12 : i32 to vector<16xi32>
    %add3A_14 = arith.addi %iota3A, %add3A_13 : vector<16xi32>
    tpu.vector_store_idx %arg6[%add3A_14, %get3A_11], %broadcast_in_dim3A_3 : memref<32x1000xf32, #tpu.memory_space<vmem>>[vector<16xi32>, vector<16xi32>], vector<16xf32>,
    %add3A_15 = arith.constant 0 : i32
    %add3A_16 = arith.addi %mul3A_2, %add3A_15 : i32
    %dma_start3A = arith.constant 0 : i32
    %dma_start3A_17 = tpu.memref_slice %arg4[%add3A_16, %dma_start3A] : memref<16384x1000xf32, #tpu.memory_space<hbm>> -> memref<32x1000xf32, #tpu.memory_space<hbm>>
    %dma_start3A_18 = arith.constant 0 : i32
    %dma_start3A_19 = tpu.memref_slice %arg4[%add3A_16, %dma_start3A_18] : memref<16384x1000xf32, #tpu.memory_space<hbm>> -> memref<32x1000xf32, #tpu.memory_space<hbm>>
    tpu.enqueue_dma source(%arg6 : memref<32x1000xf32, #tpu.memory_space<vmem>>) target(%dma_start3A_19 : memref<32x1000xf32, #tpu.memory_space<hbm>>) target_semaphore(%arg9 : memref<!tpu.dma_semaphore, #tpu.memory_space<semaphore_mem>>)
    %get3A_20 = arith.constant 32 : index
    %get3A_21 = tpu.vector_load %arg5[%get3A_20] {strides = array<i32>} : memref<512xi32, #tpu.memory_space<vmem>>, vector<16xi32>,
    %add3A_22 = arith.constant 0 : i32
    %add3A_23 = vector.broadcast %add3A_22 : i32 to vector<16xi32>
    %add3A_24 = arith.addi %iota3A, %add3A_23 : vector<16xi32>
    tpu.vector_store_idx %arg7[%add3A_24, %get3A_21], %broadcast_in_dim3A_3 : memref<32x1000xf32, #tpu.memory_space<vmem>>[vector<16xi32>, vector<16xi32>], vector<16xf32>,
    %get3A_25 = arith.constant 48 : index
    %get3A_26 = tpu.vector_load %arg5[%get3A_25] {strides = array<i32>} : memref<512xi32, #tpu.memory_space<vmem>>, vector<16xi32>,
    %add3A_27 = arith.constant 16 : i32
    %add3A_28 = vector.broadcast %add3A_27 : i32 to vector<16xi32>
    %add3A_29 = arith.addi %iota3A, %add3A_28 : vector<16xi32>
    tpu.vector_store_idx %arg7[%add3A_29, %get3A_26], %broadcast_in_dim3A_3 : memref<32x1000xf32, #tpu.memory_space<vmem>>[vector<16xi32>, vector<16xi32>], vector<16xf32>,
    %add3A_30 = arith.constant 32 : i32
    %add3A_31 = arith.addi %mul3A_2, %add3A_30 : i32
    %dma_start3A_32 = arith.constant 0 : i32
    %dma_start3A_33 = tpu.memref_slice %arg4[%add3A_31, %dma_start3A_32] : memref<16384x1000xf32, #tpu.memory_space<hbm>> -> memref<32x1000xf32, #tpu.memory_space<hbm>>
    %dma_start3A_34 = arith.constant 0 : i32
    %dma_start3A_35 = tpu.memref_slice %arg4[%add3A_31, %dma_start3A_34] : memref<16384x1000xf32, #tpu.memory_space<hbm>> -> memref<32x1000xf32, #tpu.memory_space<hbm>>
    tpu.enqueue_dma source(%arg7 : memref<32x1000xf32, #tpu.memory_space<vmem>>) target(%dma_start3A_35 : memref<32x1000xf32, #tpu.memory_space<hbm>>) target_semaphore(%arg10 : memref<!tpu.dma_semaphore, #tpu.memory_space<semaphore_mem>>)
    %get3A_36 = arith.constant 64 : index
    %get3A_37 = tpu.vector_load %arg5[%get3A_36] {strides = array<i32>} : memref<512xi32, #tpu.memory_space<vmem>>, vector<16xi32>,
    %add3A_38 = arith.constant 0 : i32
    %add3A_39 = vector.broadcast %add3A_38 : i32 to vector<16xi32>
    %add3A_40 = arith.addi %iota3A, %add3A_39 : vector<16xi32>
    tpu.vector_store_idx %arg8[%add3A_40, %get3A_37], %broadcast_in_dim3A_3 : memref<32x1000xf32, #tpu.memory_space<vmem>>[vector<16xi32>, vector<16xi32>], vector<16xf32>,
    %get3A_41 = arith.constant 80 : index
    %get3A_42 = tpu.vector_load %arg5[%get3A_41] {strides = array<i32>} : memref<512xi32, #tpu.memory_space<vmem>>, vector<16xi32>,
    %add3A_43 = arith.constant 16 : i32
    %add3A_44 = vector.broadcast %add3A_43 : i32 to vector<16xi32>
    %add3A_45 = arith.addi %iota3A, %add3A_44 : vector<16xi32>
    tpu.vector_store_idx %arg8[%add3A_45, %get3A_42], %broadcast_in_dim3A_3 : memref<32x1000xf32, #tpu.memory_space<vmem>>[vector<16xi32>, vector<16xi32>], vector<16xf32>,
    %add3A_46 = arith.constant 64 : i32
    %add3A_47 = arith.addi %mul3A_2, %add3A_46 : i32
    %dma_start3A_48 = arith.constant 0 : i32
    %dma_start3A_49 = tpu.memref_slice %arg4[%add3A_47, %dma_start3A_48] : memref<16384x1000xf32, #tpu.memory_space<hbm>> -> memref<32x1000xf32, #tpu.memory_space<hbm>>
    %dma_start3A_50 = arith.constant 0 : i32
    %dma_start3A_51 = tpu.memref_slice %arg4[%add3A_47, %dma_start3A_50] : memref<16384x1000xf32, #tpu.memory_space<hbm>> -> memref<32x1000xf32, #tpu.memory_space<hbm>>
    tpu.enqueue_dma source(%arg8 : memref<32x1000xf32, #tpu.memory_space<vmem>>) target(%dma_start3A_51 : memref<32x1000xf32, #tpu.memory_space<hbm>>) target_semaphore(%arg11 : memref<!tpu.dma_semaphore, #tpu.memory_space<semaphore_mem>>)
    %add3A_52 = arith.constant 0 : i32
    %add3A_53 = arith.addi %mul3A_2, %add3A_52 : i32
    %dma_wait3A = arith.constant 0 : i32
    %dma_wait3A_54 = tpu.memref_slice %arg4[%add3A_53, %dma_wait3A] : memref<16384x1000xf32, #tpu.memory_space<hbm>> -> memref<32x1000xf32, #tpu.memory_space<hbm>>
    %dma_wait3A_55 = arith.constant 0 : i32
    %dma_wait3A_56 = tpu.memref_slice %arg4[%add3A_53, %dma_wait3A_55] : memref<16384x1000xf32, #tpu.memory_space<hbm>> -> memref<32x1000xf32, #tpu.memory_space<hbm>>
    tpu.wait_dma2 semaphore(%arg9 : memref<!tpu.dma_semaphore, #tpu.memory_space<semaphore_mem>>) src(%arg6 : memref<32x1000xf32, #tpu.memory_space<vmem>>) dst(%dma_wait3A_56 : memref<32x1000xf32, #tpu.memory_space<hbm>>)
    %get3A_57 = arith.constant 0 : index
    %get3A_58 = tpu.vector_load %arg5[%get3A_57] {strides = array<i32>} : memref<512xi32, #tpu.memory_space<vmem>>, vector<16xi32>,
    %add3A_59 = arith.constant 0 : i32
    %add3A_60 = vector.broadcast %add3A_59 : i32 to vector<16xi32>
    %add3A_61 = arith.addi %iota3A, %add3A_60 : vector<16xi32>
    tpu.vector_store_idx %arg6[%add3A_61, %get3A_58], %broadcast_in_dim3A_5 : memref<32x1000xf32, #tpu.memory_space<vmem>>[vector<16xi32>, vector<16xi32>], vector<16xf32>,
    %get3A_62 = arith.constant 16 : index
    %get3A_63 = tpu.vector_load %arg5[%get3A_62] {strides = array<i32>} : memref<512xi32, #tpu.memory_space<vmem>>, vector<16xi32>,
    %add3A_64 = arith.constant 16 : i32
    %add3A_65 = vector.broadcast %add3A_64 : i32 to vector<16xi32>
    %add3A_66 = arith.addi %iota3A, %add3A_65 : vector<16xi32>
    tpu.vector_store_idx %arg6[%add3A_66, %get3A_63], %broadcast_in_dim3A_5 : memref<32x1000xf32, #tpu.memory_space<vmem>>[vector<16xi32>, vector<16xi32>], vector<16xf32>,
    %get3A_67 = arith.constant 96 : index
    %get3A_68 = tpu.vector_load %arg5[%get3A_67] {strides = array<i32>} : memref<512xi32, #tpu.memory_space<vmem>>, vector<16xi32>,
    %add3A_69 = arith.constant 0 : i32
    %add3A_70 = vector.broadcast %add3A_69 : i32 to vector<16xi32>
    %add3A_71 = arith.addi %iota3A, %add3A_70 : vector<16xi32>
    tpu.vector_store_idx %arg6[%add3A_71, %get3A_68], %broadcast_in_dim3A_3 : memref<32x1000xf32, #tpu.memory_space<vmem>>[vector<16xi32>, vector<16xi32>], vector<16xf32>,
    %get3A_72 = arith.constant 112 : index
    %get3A_73 = tpu.vector_load %arg5[%get3A_72] {strides = array<i32>} : memref<512xi32, #tpu.memory_space<vmem>>, vector<16xi32>,
    %add3A_74 = arith.constant 16 : i32
    %add3A_75 = vector.broadcast %add3A_74 : i32 to vector<16xi32>
    %add3A_76 = arith.addi %iota3A, %add3A_75 : vector<16xi32>
    tpu.vector_store_idx %arg6[%add3A_76, %get3A_73], %broadcast_in_dim3A_3 : memref<32x1000xf32, #tpu.memory_space<vmem>>[vector<16xi32>, vector<16xi32>], vector<16xf32>,
    %add3A_77 = arith.constant 96 : i32
    %add3A_78 = arith.addi %mul3A_2, %add3A_77 : i32
    %dma_start3A_79 = arith.constant 0 : i32
    %dma_start3A_80 = tpu.memref_slice %arg4[%add3A_78, %dma_start3A_79] : memref<16384x1000xf32, #tpu.memory_space<hbm>> -> memref<32x1000xf32, #tpu.memory_space<hbm>>
    %dma_start3A_81 = arith.constant 0 : i32
    %dma_start3A_82 = tpu.memref_slice %arg4[%add3A_78, %dma_start3A_81] : memref<16384x1000xf32, #tpu.memory_space<hbm>> -> memref<32x1000xf32, #tpu.memory_space<hbm>>
    tpu.enqueue_dma source(%arg6 : memref<32x1000xf32, #tpu.memory_space<vmem>>) target(%dma_start3A_82 : memref<32x1000xf32, #tpu.memory_space<hbm>>) target_semaphore(%arg9 : memref<!tpu.dma_semaphore, #tpu.memory_space<semaphore_mem>>)
    %add3A_83 = arith.constant 32 : i32
    %add3A_84 = arith.addi %mul3A_2, %add3A_83 : i32
    %dma_wait3A_85 = arith.constant 0 : i32
    %dma_wait3A_86 = tpu.memref_slice %arg4[%add3A_84, %dma_wait3A_85] : memref<16384x1000xf32, #tpu.memory_space<hbm>> -> memref<32x1000xf32, #tpu.memory_space<hbm>>
    %dma_wait3A_87 = arith.constant 0 : i32
    %dma_wait3A_88 = tpu.memref_slice %arg4[%add3A_84, %dma_wait3A_87] : memref<16384x1000xf32, #tpu.memory_space<hbm>> -> memref<32x1000xf32, #tpu.memory_space<hbm>>
    tpu.wait_dma2 semaphore(%arg10 : memref<!tpu.dma_semaphore, #tpu.memory_space<semaphore_mem>>) src(%arg7 : memref<32x1000xf32, #tpu.memory_space<vmem>>) dst(%dma_wait3A_88 : memref<32x1000xf32, #tpu.memory_space<hbm>>)
    %get3A_89 = arith.constant 32 : index
    %get3A_90 = tpu.vector_load %arg5[%get3A_89] {strides = array<i32>} : memref<512xi32, #tpu.memory_space<vmem>>, vector<16xi32>,
    %add3A_91 = arith.constant 0 : i32
    %add3A_92 = vector.broadcast %add3A_91 : i32 to vector<16xi32>
    %add3A_93 = arith.addi %iota3A, %add3A_92 : vector<16xi32>
    tpu.vector_store_idx %arg7[%add3A_93, %get3A_90], %broadcast_in_dim3A_5 : memref<32x1000xf32, #tpu.memory_space<vmem>>[vector<16xi32>, vector<16xi32>], vector<16xf32>,
    %get3A_94 = arith.constant 48 : index
    %get3A_95 = tpu.vector_load %arg5[%get3A_94] {strides = array<i32>} : memref<512xi32, #tpu.memory_space<vmem>>, vector<16xi32>,
    %add3A_96 = arith.constant 16 : i32
    %add3A_97 = vector.broadcast %add3A_96 : i32 to vector<16xi32>
    %add3A_98 = arith.addi %iota3A, %add3A_97 : vector<16xi32>
    tpu.vector_store_idx %arg7[%add3A_98, %get3A_95], %broadcast_in_dim3A_5 : memref<32x1000xf32, #tpu.memory_space<vmem>>[vector<16xi32>, vector<16xi32>], vector<16xf32>,
    %get3A_99 = arith.constant 128 : index
    %get3A_100 = tpu.vector_load %arg5[%get3A_99] {strides = array<i32>} : memref<512xi32, #tpu.memory_space<vmem>>, vector<16xi32>,
    %add3A_101 = arith.constant 0 : i32
    %add3A_102 = vector.broadcast %add3A_101 : i32 to vector<16xi32>
    %add3A_103 = arith.addi %iota3A, %add3A_102 : vector<16xi32>
    tpu.vector_store_idx %arg7[%add3A_103, %get3A_100], %broadcast_in_dim3A_3 : memref<32x1000xf32, #tpu.memory_space<vmem>>[vector<16xi32>, vector<16xi32>], vector<16xf32>,
    %get3A_104 = arith.constant 144 : index
    %get3A_105 = tpu.vector_load %arg5[%get3A_104] {strides = array<i32>} : memref<512xi32, #tpu.memory_space<vmem>>, vector<16xi32>,
    %add3A_106 = arith.constant 16 : i32
    %add3A_107 = vector.broadcast %add3A_106 : i32 to vector<16xi32>
    %add3A_108 = arith.addi %iota3A, %add3A_107 : vector<16xi32>
    tpu.vector_store_idx %arg7[%add3A_108, %get3A_105], %broadcast_in_dim3A_3 : memref<32x1000xf32, #tpu.memory_space<vmem>>[vector<16xi32>, vector<16xi32>], vector<16xf32>,
    %add3A_109 = arith.constant 128 : i32
    %add3A_110 = arith.addi %mul3A_2, %add3A_109 : i32
    %dma_start3A_111 = arith.constant 0 : i32
    %dma_start3A_112 = tpu.memref_slice %arg4[%add3A_110, %dma_start3A_111] : memref<16384x1000xf32, #tpu.memory_space<hbm>> -> memref<32x1000xf32, #tpu.memory_space<hbm>>
    %dma_start3A_113 = arith.constant 0 : i32
    %dma_start3A_114 = tpu.memref_slice %arg4[%add3A_110, %dma_start3A_113] : memref<16384x1000xf32, #tpu.memory_space<hbm>> -> memref<32x1000xf32, #tpu.memory_space<hbm>>
    tpu.enqueue_dma source(%arg7 : memref<32x1000xf32, #tpu.memory_space<vmem>>) target(%dma_start3A_114 : memref<32x1000xf32, #tpu.memory_space<hbm>>) target_semaphore(%arg10 : memref<!tpu.dma_semaphore, #tpu.memory_space<semaphore_mem>>)
    %add3A_115 = arith.constant 64 : i32
    %add3A_116 = arith.addi %mul3A_2, %add3A_115 : i32
    %dma_wait3A_117 = arith.constant 0 : i32
    %dma_wait3A_118 = tpu.memref_slice %arg4[%add3A_116, %dma_wait3A_117] : memref<16384x1000xf32, #tpu.memory_space<hbm>> -> memref<32x1000xf32, #tpu.memory_space<hbm>>
    %dma_wait3A_119 = arith.constant 0 : i32
    %dma_wait3A_120 = tpu.memref_slice %arg4[%add3A_116, %dma_wait3A_119] : memref<16384x1000xf32, #tpu.memory_space<hbm>> -> memref<32x1000xf32, #tpu.memory_space<hbm>>
    tpu.wait_dma2 semaphore(%arg11 : memref<!tpu.dma_semaphore, #tpu.memory_space<semaphore_mem>>) src(%arg8 : memref<32x1000xf32, #tpu.memory_space<vmem>>) dst(%dma_wait3A_120 : memref<32x1000xf32, #tpu.memory_space<hbm>>)
    %get3A_121 = arith.constant 64 : index
    %get3A_122 = tpu.vector_load %arg5[%get3A_121] {strides = array<i32>} : memref<512xi32, #tpu.memory_space<vmem>>, vector<16xi32>,
    %add3A_123 = arith.constant 0 : i32
    %add3A_124 = vector.broadcast %add3A_123 : i32 to vector<16xi32>
    %add3A_125 = arith.addi %iota3A, %add3A_124 : vector<16xi32>
    tpu.vector_store_idx %arg8[%add3A_125, %get3A_122], %broadcast_in_dim3A_5 : memref<32x1000xf32, #tpu.memory_space<vmem>>[vector<16xi32>, vector<16xi32>], vector<16xf32>,
    %get3A_126 = arith.constant 80 : index
    %get3A_127 = tpu.vector_load %arg5[%get3A_126] {strides = array<i32>} : memref<512xi32, #tpu.memory_space<vmem>>, vector<16xi32>,
    %add3A_128 = arith.constant 16 : i32
    %add3A_129 = vector.broadcast %add3A_128 : i32 to vector<16xi32>
    %add3A_130 = arith.addi %iota3A, %add3A_129 : vector<16xi32>
    tpu.vector_store_idx %arg8[%add3A_130, %get3A_127], %broadcast_in_dim3A_5 : memref<32x1000xf32, #tpu.memory_space<vmem>>[vector<16xi32>, vector<16xi32>], vector<16xf32>,
    %get3A_131 = arith.constant 160 : index
    %get3A_132 = tpu.vector_load %arg5[%get3A_131] {strides = array<i32>} : memref<512xi32, #tpu.memory_space<vmem>>, vector<16xi32>,
    %add3A_133 = arith.constant 0 : i32
    %add3A_134 = vector.broadcast %add3A_133 : i32 to vector<16xi32>
    %add3A_135 = arith.addi %iota3A, %add3A_134 : vector<16xi32>
    tpu.vector_store_idx %arg8[%add3A_135, %get3A_132], %broadcast_in_dim3A_3 : memref<32x1000xf32, #tpu.memory_space<vmem>>[vector<16xi32>, vector<16xi32>], vector<16xf32>,
    %get3A_136 = arith.constant 176 : index
    %get3A_137 = tpu.vector_load %arg5[%get3A_136] {strides = array<i32>} : memref<512xi32, #tpu.memory_space<vmem>>, vector<16xi32>,
    %add3A_138 = arith.constant 16 : i32
    %add3A_139 = vector.broadcast %add3A_138 : i32 to vector<16xi32>
    %add3A_140 = arith.addi %iota3A, %add3A_139 : vector<16xi32>
    tpu.vector_store_idx %arg8[%add3A_140, %get3A_137], %broadcast_in_dim3A_3 : memref<32x1000xf32, #tpu.memory_space<vmem>>[vector<16xi32>, vector<16xi32>], vector<16xf32>,
    %add3A_141 = arith.constant 160 : i32
    %add3A_142 = arith.addi %mul3A_2, %add3A_141 : i32
    %dma_start3A_143 = arith.constant 0 : i32
    %dma_start3A_144 = tpu.memref_slice %arg4[%add3A_142, %dma_start3A_143] : memref<16384x1000xf32, #tpu.memory_space<hbm>> -> memref<32x1000xf32, #tpu.memory_space<hbm>>
    %dma_start3A_145 = arith.constant 0 : i32
    %dma_start3A_146 = tpu.memref_slice %arg4[%add3A_142, %dma_start3A_145] : memref<16384x1000xf32, #tpu.memory_space<hbm>> -> memref<32x1000xf32, #tpu.memory_space<hbm>>
    tpu.enqueue_dma source(%arg8 : memref<32x1000xf32, #tpu.memory_space<vmem>>) target(%dma_start3A_146 : memref<32x1000xf32, #tpu.memory_space<hbm>>) target_semaphore(%arg11 : memref<!tpu.dma_semaphore, #tpu.memory_space<semaphore_mem>>)
    %add3A_147 = arith.constant 96 : i32
    %add3A_148 = arith.addi %mul3A_2, %add3A_147 : i32
    %dma_wait3A_149 = arith.constant 0 : i32
    %dma_wait3A_150 = tpu.memref_slice %arg4[%add3A_148, %dma_wait3A_149] : memref<16384x1000xf32, #tpu.memory_space<hbm>> -> memref<32x1000xf32, #tpu.memory_space<hbm>>
    %dma_wait3A_151 = arith.constant 0 : i32
    %dma_wait3A_152 = tpu.memref_slice %arg4[%add3A_148, %dma_wait3A_151] : memref<16384x1000xf32, #tpu.memory_space<hbm>> -> memref<32x1000xf32, #tpu.memory_space<hbm>>
    tpu.wait_dma2 semaphore(%arg9 : memref<!tpu.dma_semaphore, #tpu.memory_space<semaphore_mem>>) src(%arg6 : memref<32x1000xf32, #tpu.memory_space<vmem>>) dst(%dma_wait3A_152 : memref<32x1000xf32, #tpu.memory_space<hbm>>)
    %get3A_153 = arith.constant 96 : index
    %get3A_154 = tpu.vector_load %arg5[%get3A_153] {strides = array<i32>} : memref<512xi32, #tpu.memory_space<vmem>>, vector<16xi32>,
    %add3A_155 = arith.constant 0 : i32
    %add3A_156 = vector.broadcast %add3A_155 : i32 to vector<16xi32>
    %add3A_157 = arith.addi %iota3A, %add3A_156 : vector<16xi32>
    tpu.vector_store_idx %arg6[%add3A_157, %get3A_154], %broadcast_in_dim3A_5 : memref<32x1000xf32, #tpu.memory_space<vmem>>[vector<16xi32>, vector<16xi32>], vector<16xf32>,
    %get3A_158 = arith.constant 112 : index
    %get3A_159 = tpu.vector_load %arg5[%get3A_158] {strides = array<i32>} : memref<512xi32, #tpu.memory_space<vmem>>, vector<16xi32>,
    %add3A_160 = arith.constant 16 : i32
    %add3A_161 = vector.broadcast %add3A_160 : i32 to vector<16xi32>
    %add3A_162 = arith.addi %iota3A, %add3A_161 : vector<16xi32>
    tpu.vector_store_idx %arg6[%add3A_162, %get3A_159], %broadcast_in_dim3A_5 : memref<32x1000xf32, #tpu.memory_space<vmem>>[vector<16xi32>, vector<16xi32>], vector<16xf32>,
    %get3A_163 = arith.constant 192 : index
    %get3A_164 = tpu.vector_load %arg5[%get3A_163] {strides = array<i32>} : memref<512xi32, #tpu.memory_space<vmem>>, vector<16xi32>,
    %add3A_165 = arith.constant 0 : i32
    %add3A_166 = vector.broadcast %add3A_165 : i32 to vector<16xi32>
    %add3A_167 = arith.addi %iota3A, %add3A_166 : vector<16xi32>
    tpu.vector_store_idx %arg6[%add3A_167, %get3A_164], %broadcast_in_dim3A_3 : memref<32x1000xf32, #tpu.memory_space<vmem>>[vector<16xi32>, vector<16xi32>], vector<16xf32>,
    %get3A_168 = arith.constant 208 : index
    %get3A_169 = tpu.vector_load %arg5[%get3A_168] {strides = array<i32>} : memref<512xi32, #tpu.memory_space<vmem>>, vector<16xi32>,
    %add3A_170 = arith.constant 16 : i32
    %add3A_171 = vector.broadcast %add3A_170 : i32 to vector<16xi32>
    %add3A_172 = arith.addi %iota3A, %add3A_171 : vector<16xi32>
    tpu.vector_store_idx %arg6[%add3A_172, %get3A_169], %broadcast_in_dim3A_3 : memref<32x1000xf32, #tpu.memory_space<vmem>>[vector<16xi32>, vector<16xi32>], vector<16xf32>,
    %add3A_173 = arith.constant 192 : i32
    %add3A_174 = arith.addi %mul3A_2, %add3A_173 : i32
    %dma_start3A_175 = arith.constant 0 : i32
    %dma_start3A_176 = tpu.memref_slice %arg4[%add3A_174, %dma_start3A_175] : memref<16384x1000xf32, #tpu.memory_space<hbm>> -> memref<32x1000xf32, #tpu.memory_space<hbm>>
    %dma_start3A_177 = arith.constant 0 : i32
    %dma_start3A_178 = tpu.memref_slice %arg4[%add3A_174, %dma_start3A_177] : memref<16384x1000xf32, #tpu.memory_space<hbm>> -> memref<32x1000xf32, #tpu.memory_space<hbm>>
    tpu.enqueue_dma source(%arg6 : memref<32x1000xf32, #tpu.memory_space<vmem>>) target(%dma_start3A_178 : memref<32x1000xf32, #tpu.memory_space<hbm>>) target_semaphore(%arg9 : memref<!tpu.dma_semaphore, #tpu.memory_space<semaphore_mem>>)
    %add3A_179 = arith.constant 128 : i32
    %add3A_180 = arith.addi %mul3A_2, %add3A_179 : i32
    %dma_wait3A_181 = arith.constant 0 : i32
    %dma_wait3A_182 = tpu.memref_slice %arg4[%add3A_180, %dma_wait3A_181] : memref<16384x1000xf32, #tpu.memory_space<hbm>> -> memref<32x1000xf32, #tpu.memory_space<hbm>>
    %dma_wait3A_183 = arith.constant 0 : i32
    %dma_wait3A_184 = tpu.memref_slice %arg4[%add3A_180, %dma_wait3A_183] : memref<16384x1000xf32, #tpu.memory_space<hbm>> -> memref<32x1000xf32, #tpu.memory_space<hbm>>
    tpu.wait_dma2 semaphore(%arg10 : memref<!tpu.dma_semaphore, #tpu.memory_space<semaphore_mem>>) src(%arg7 : memref<32x1000xf32, #tpu.memory_space<vmem>>) dst(%dma_wait3A_184 : memref<32x1000xf32, #tpu.memory_space<hbm>>)
    %get3A_185 = arith.constant 128 : index
    %get3A_186 = tpu.vector_load %arg5[%get3A_185] {strides = array<i32>} : memref<512xi32, #tpu.memory_space<vmem>>, vector<16xi32>,
    %add3A_187 = arith.constant 0 : i32
    %add3A_188 = vector.broadcast %add3A_187 : i32 to vector<16xi32>
    %add3A_189 = arith.addi %iota3A, %add3A_188 : vector<16xi32>
    tpu.vector_store_idx %arg7[%add3A_189, %get3A_186], %broadcast_in_dim3A_5 : memref<32x1000xf32, #tpu.memory_space<vmem>>[vector<16xi32>, vector<16xi32>], vector<16xf32>,
    %get3A_190 = arith.constant 144 : index
    %get3A_191 = tpu.vector_load %arg5[%get3A_190] {strides = array<i32>} : memref<512xi32, #tpu.memory_space<vmem>>, vector<16xi32>,
    %add3A_192 = arith.constant 16 : i32
    %add3A_193 = vector.broadcast %add3A_192 : i32 to vector<16xi32>
    %add3A_194 = arith.addi %iota3A, %add3A_193 : vector<16xi32>
    tpu.vector_store_idx %arg7[%add3A_194, %get3A_191], %broadcast_in_dim3A_5 : memref<32x1000xf32, #tpu.memory_space<vmem>>[vector<16xi32>, vector<16xi32>], vector<16xf32>,
    %get3A_195 = arith.constant 224 : index
    %get3A_196 = tpu.vector_load %arg5[%get3A_195] {strides = array<i32>} : memref<512xi32, #tpu.memory_space<vmem>>, vector<16xi32>,
    %add3A_197 = arith.constant 0 : i32
    %add3A_198 = vector.broadcast %add3A_197 : i32 to vector<16xi32>
    %add3A_199 = arith.addi %iota3A, %add3A_198 : vector<16xi32>
    tpu.vector_store_idx %arg7[%add3A_199, %get3A_196], %broadcast_in_dim3A_3 : memref<32x1000xf32, #tpu.memory_space<vmem>>[vector<16xi32>, vector<16xi32>], vector<16xf32>,
    %get3A_200 = arith.constant 240 : index
    %get3A_201 = tpu.vector_load %arg5[%get3A_200] {strides = array<i32>} : memref<512xi32, #tpu.memory_space<vmem>>, vector<16xi32>,
    %add3A_202 = arith.constant 16 : i32
    %add3A_203 = vector.broadcast %add3A_202 : i32 to vector<16xi32>
    %add3A_204 = arith.addi %iota3A, %add3A_203 : vector<16xi32>
    tpu.vector_store_idx %arg7[%add3A_204, %get3A_201], %broadcast_in_dim3A_3 : memref<32x1000xf32, #tpu.memory_space<vmem>>[vector<16xi32>, vector<16xi32>], vector<16xf32>,
    %add3A_205 = arith.constant 224 : i32
    %add3A_206 = arith.addi %mul3A_2, %add3A_205 : i32
    %dma_start3A_207 = arith.constant 0 : i32
    %dma_start3A_208 = tpu.memref_slice %arg4[%add3A_206, %dma_start3A_207] : memref<16384x1000xf32, #tpu.memory_space<hbm>> -> memref<32x1000xf32, #tpu.memory_space<hbm>>
    %dma_start3A_209 = arith.constant 0 : i32
    %dma_start3A_210 = tpu.memref_slice %arg4[%add3A_206, %dma_start3A_209] : memref<16384x1000xf32, #tpu.memory_space<hbm>> -> memref<32x1000xf32, #tpu.memory_space<hbm>>
    tpu.enqueue_dma source(%arg7 : memref<32x1000xf32, #tpu.memory_space<vmem>>) target(%dma_start3A_210 : memref<32x1000xf32, #tpu.memory_space<hbm>>) target_semaphore(%arg10 : memref<!tpu.dma_semaphore, #tpu.memory_space<semaphore_mem>>)
    %add3A_211 = arith.constant 160 : i32
    %add3A_212 = arith.addi %mul3A_2, %add3A_211 : i32
    %dma_wait3A_213 = arith.constant 0 : i32
    %dma_wait3A_214 = tpu.memref_slice %arg4[%add3A_212, %dma_wait3A_213] : memref<16384x1000xf32, #tpu.memory_space<hbm>> -> memref<32x1000xf32, #tpu.memory_space<hbm>>
    %dma_wait3A_215 = arith.constant 0 : i32
    %dma_wait3A_216 = tpu.memref_slice %arg4[%add3A_212, %dma_wait3A_215] : memref<16384x1000xf32, #tpu.memory_space<hbm>> -> memref<32x1000xf32, #tpu.memory_space<hbm>>
    tpu.wait_dma2 semaphore(%arg11 : memref<!tpu.dma_semaphore, #tpu.memory_space<semaphore_mem>>) src(%arg8 : memref<32x1000xf32, #tpu.memory_space<vmem>>) dst(%dma_wait3A_216 : memref<32x1000xf32, #tpu.memory_space<hbm>>)
    %get3A_217 = arith.constant 160 : index
    %get3A_218 = tpu.vector_load %arg5[%get3A_217] {strides = array<i32>} : memref<512xi32, #tpu.memory_space<vmem>>, vector<16xi32>,
    %add3A_219 = arith.constant 0 : i32
    %add3A_220 = vector.broadcast %add3A_219 : i32 to vector<16xi32>
    %add3A_221 = arith.addi %iota3A, %add3A_220 : vector<16xi32>
    tpu.vector_store_idx %arg8[%add3A_221, %get3A_218], %broadcast_in_dim3A_5 : memref<32x1000xf32, #tpu.memory_space<vmem>>[vector<16xi32>, vector<16xi32>], vector<16xf32>,
    %get3A_222 = arith.constant 176 : index
    %get3A_223 = tpu.vector_load %arg5[%get3A_222] {strides = array<i32>} : memref<512xi32, #tpu.memory_space<vmem>>, vector<16xi32>,
    %add3A_224 = arith.constant 16 : i32
    %add3A_225 = vector.broadcast %add3A_224 : i32 to vector<16xi32>
    %add3A_226 = arith.addi %iota3A, %add3A_225 : vector<16xi32>
    tpu.vector_store_idx %arg8[%add3A_226, %get3A_223], %broadcast_in_dim3A_5 : memref<32x1000xf32, #tpu.memory_space<vmem>>[vector<16xi32>, vector<16xi32>], vector<16xf32>,
    %get3A_227 = arith.constant 256 : index
    %get3A_228 = tpu.vector_load %arg5[%get3A_227] {strides = array<i32>} : memref<512xi32, #tpu.memory_space<vmem>>, vector<16xi32>,
    %add3A_229 = arith.constant 0 : i32
    %add3A_230 = vector.broadcast %add3A_229 : i32 to vector<16xi32>
    %add3A_231 = arith.addi %iota3A, %add3A_230 : vector<16xi32>
    tpu.vector_store_idx %arg8[%add3A_231, %get3A_228], %broadcast_in_dim3A_3 : memref<32x1000xf32, #tpu.memory_space<vmem>>[vector<16xi32>, vector<16xi32>], vector<16xf32>,
    %get3A_232 = arith.constant 272 : index
    %get3A_233 = tpu.vector_load %arg5[%get3A_232] {strides = array<i32>} : memref<512xi32, #tpu.memory_space<vmem>>, vector<16xi32>,
    %add3A_234 = arith.constant 16 : i32
    %add3A_235 = vector.broadcast %add3A_234 : i32 to vector<16xi32>
    %add3A_236 = arith.addi %iota3A, %add3A_235 : vector<16xi32>
    tpu.vector_store_idx %arg8[%add3A_236, %get3A_233], %broadcast_in_dim3A_3 : memref<32x1000xf32, #tpu.memory_space<vmem>>[vector<16xi32>, vector<16xi32>], vector<16xf32>,
    %add3A_237 = arith.constant 256 : i32
    %add3A_238 = arith.addi %mul3A_2, %add3A_237 : i32
    %dma_start3A_239 = arith.constant 0 : i32
    %dma_start3A_240 = tpu.memref_slice %arg4[%add3A_238, %dma_start3A_239] : memref<16384x1000xf32, #tpu.memory_space<hbm>> -> memref<32x1000xf32, #tpu.memory_space<hbm>>
    %dma_start3A_241 = arith.constant 0 : i32
    %dma_start3A_242 = tpu.memref_slice %arg4[%add3A_238, %dma_start3A_241] : memref<16384x1000xf32, #tpu.memory_space<hbm>> -> memref<32x1000xf32, #tpu.memory_space<hbm>>
    tpu.enqueue_dma source(%arg8 : memref<32x1000xf32, #tpu.memory_space<vmem>>) target(%dma_start3A_242 : memref<32x1000xf32, #tpu.memory_space<hbm>>) target_semaphore(%arg11 : memref<!tpu.dma_semaphore, #tpu.memory_space<semaphore_mem>>)
    %add3A_243 = arith.constant 192 : i32
    %add3A_244 = arith.addi %mul3A_2, %add3A_243 : i32
    %dma_wait3A_245 = arith.constant 0 : i32
    %dma_wait3A_246 = tpu.memref_slice %arg4[%add3A_244, %dma_wait3A_245] : memref<16384x1000xf32, #tpu.memory_space<hbm>> -> memref<32x1000xf32, #tpu.memory_space<hbm>>
    %dma_wait3A_247 = arith.constant 0 : i32
    %dma_wait3A_248 = tpu.memref_slice %arg4[%add3A_244, %dma_wait3A_247] : memref<16384x1000xf32, #tpu.memory_space<hbm>> -> memref<32x1000xf32, #tpu.memory_space<hbm>>
    tpu.wait_dma2 semaphore(%arg9 : memref<!tpu.dma_semaphore, #tpu.memory_space<semaphore_mem>>) src(%arg6 : memref<32x1000xf32, #tpu.memory_space<vmem>>) dst(%dma_wait3A_248 : memref<32x1000xf32, #tpu.memory_space<hbm>>)
    %get3A_249 = arith.constant 192 : index
    %get3A_250 = tpu.vector_load %arg5[%get3A_249] {strides = array<i32>} : memref<512xi32, #tpu.memory_space<vmem>>, vector<16xi32>,
    %add3A_251 = arith.constant 0 : i32
    %add3A_252 = vector.broadcast %add3A_251 : i32 to vector<16xi32>
    %add3A_253 = arith.addi %iota3A, %add3A_252 : vector<16xi32>
    tpu.vector_store_idx %arg6[%add3A_253, %get3A_250], %broadcast_in_dim3A_5 : memref<32x1000xf32, #tpu.memory_space<vmem>>[vector<16xi32>, vector<16xi32>], vector<16xf32>,
    %get3A_254 = arith.constant 208 : index
    %get3A_255 = tpu.vector_load %arg5[%get3A_254] {strides = array<i32>} : memref<512xi32, #tpu.memory_space<vmem>>, vector<16xi32>,
    %add3A_256 = arith.constant 16 : i32
    %add3A_257 = vector.broadcast %add3A_256 : i32 to vector<16xi32>
    %add3A_258 = arith.addi %iota3A, %add3A_257 : vector<16xi32>
    tpu.vector_store_idx %arg6[%add3A_258, %get3A_255], %broadcast_in_dim3A_5 : memref<32x1000xf32, #tpu.memory_space<vmem>>[vector<16xi32>, vector<16xi32>], vector<16xf32>,
    %get3A_259 = arith.constant 288 : index
    %get3A_260 = tpu.vector_load %arg5[%get3A_259] {strides = array<i32>} : memref<512xi32, #tpu.memory_space<vmem>>, vector<16xi32>,
    %add3A_261 = arith.constant 0 : i32
    %add3A_262 = vector.broadcast %add3A_261 : i32 to vector<16xi32>
    %add3A_263 = arith.addi %iota3A, %add3A_262 : vector<16xi32>
    tpu.vector_store_idx %arg6[%add3A_263, %get3A_260], %broadcast_in_dim3A_3 : memref<32x1000xf32, #tpu.memory_space<vmem>>[vector<16xi32>, vector<16xi32>], vector<16xf32>,
    %get3A_264 = arith.constant 304 : index
    %get3A_265 = tpu.vector_load %arg5[%get3A_264] {strides = array<i32>} : memref<512xi32, #tpu.memory_space<vmem>>, vector<16xi32>,
    %add3A_266 = arith.constant 16 : i32
    %add3A_267 = vector.broadcast %add3A_266 : i32 to vector<16xi32>
    %add3A_268 = arith.addi %iota3A, %add3A_267 : vector<16xi32>
    tpu.vector_store_idx %arg6[%add3A_268, %get3A_265], %broadcast_in_dim3A_3 : memref<32x1000xf32, #tpu.memory_space<vmem>>[vector<16xi32>, vector<16xi32>], vector<16xf32>,
    %add3A_269 = arith.constant 288 : i32
    %add3A_270 = arith.addi %mul3A_2, %add3A_269 : i32
    %dma_start3A_271 = arith.constant 0 : i32
    %dma_start3A_272 = tpu.memref_slice %arg4[%add3A_270, %dma_start3A_271] : memref<16384x1000xf32, #tpu.memory_space<hbm>> -> memref<32x1000xf32, #tpu.memory_space<hbm>>
    %dma_start3A_273 = arith.constant 0 : i32
    %dma_start3A_274 = tpu.memref_slice %arg4[%add3A_270, %dma_start3A_273] : memref<16384x1000xf32, #tpu.memory_space<hbm>> -> memref<32x1000xf32, #tpu.memory_space<hbm>>
    tpu.enqueue_dma source(%arg6 : memref<32x1000xf32, #tpu.memory_space<vmem>>) target(%dma_start3A_274 : memref<32x1000xf32, #tpu.memory_space<hbm>>) target_semaphore(%arg9 : memref<!tpu.dma_semaphore, #tpu.memory_space<semaphore_mem>>)
    %add3A_275 = arith.constant 224 : i32
    %add3A_276 = arith.addi %mul3A_2, %add3A_275 : i32
    %dma_wait3A_277 = arith.constant 0 : i32
    %dma_wait3A_278 = tpu.memref_slice %arg4[%add3A_276, %dma_wait3A_277] : memref<16384x1000xf32, #tpu.memory_space<hbm>> -> memref<32x1000xf32, #tpu.memory_space<hbm>>
    %dma_wait3A_279 = arith.constant 0 : i32
    %dma_wait3A_280 = tpu.memref_slice %arg4[%add3A_276, %dma_wait3A_279] : memref<16384x1000xf32, #tpu.memory_space<hbm>> -> memref<32x1000xf32, #tpu.memory_space<hbm>>
    tpu.wait_dma2 semaphore(%arg10 : memref<!tpu.dma_semaphore, #tpu.memory_space<semaphore_mem>>) src(%arg7 : memref<32x1000xf32, #tpu.memory_space<vmem>>) dst(%dma_wait3A_280 : memref<32x1000xf32, #tpu.memory_space<hbm>>)
    %get3A_281 = arith.constant 224 : index
    %get3A_282 = tpu.vector_load %arg5[%get3A_281] {strides = array<i32>} : memref<512xi32, #tpu.memory_space<vmem>>, vector<16xi32>,
    %add3A_283 = arith.constant 0 : i32
    %add3A_284 = vector.broadcast %add3A_283 : i32 to vector<16xi32>
    %add3A_285 = arith.addi %iota3A, %add3A_284 : vector<16xi32>
    tpu.vector_store_idx %arg7[%add3A_285, %get3A_282], %broadcast_in_dim3A_5 : memref<32x1000xf32, #tpu.memory_space<vmem>>[vector<16xi32>, vector<16xi32>], vector<16xf32>,
    %get3A_286 = arith.constant 240 : index
    %get3A_287 = tpu.vector_load %arg5[%get3A_286] {strides = array<i32>} : memref<512xi32, #tpu.memory_space<vmem>>, vector<16xi32>,
    %add3A_288 = arith.constant 16 : i32
    %add3A_289 = vector.broadcast %add3A_288 : i32 to vector<16xi32>
    %add3A_290 = arith.addi %iota3A, %add3A_289 : vector<16xi32>
    tpu.vector_store_idx %arg7[%add3A_290, %get3A_287], %broadcast_in_dim3A_5 : memref<32x1000xf32, #tpu.memory_space<vmem>>[vector<16xi32>, vector<16xi32>], vector<16xf32>,
    %get3A_291 = arith.constant 320 : index
    %get3A_292 = tpu.vector_load %arg5[%get3A_291] {strides = array<i32>} : memref<512xi32, #tpu.memory_space<vmem>>, vector<16xi32>,
    %add3A_293 = arith.constant 0 : i32
    %add3A_294 = vector.broadcast %add3A_293 : i32 to vector<16xi32>
    %add3A_295 = arith.addi %iota3A, %add3A_294 : vector<16xi32>
    tpu.vector_store_idx %arg7[%add3A_295, %get3A_292], %broadcast_in_dim3A_3 : memref<32x1000xf32, #tpu.memory_space<vmem>>[vector<16xi32>, vector<16xi32>], vector<16xf32>,
    %get3A_296 = arith.constant 336 : index
    %get3A_297 = tpu.vector_load %arg5[%get3A_296] {strides = array<i32>} : memref<512xi32, #tpu.memory_space<vmem>>, vector<16xi32>,
    %add3A_298 = arith.constant 16 : i32
    %add3A_299 = vector.broadcast %add3A_298 : i32 to vector<16xi32>
    %add3A_300 = arith.addi %iota3A, %add3A_299 : vector<16xi32>
    tpu.vector_store_idx %arg7[%add3A_300, %get3A_297], %broadcast_in_dim3A_3 : memref<32x1000xf32, #tpu.memory_space<vmem>>[vector<16xi32>, vector<16xi32>], vector<16xf32>,
    %add3A_301 = arith.constant 320 : i32
    %add3A_302 = arith.addi %mul3A_2, %add3A_301 : i32
    %dma_start3A_303 = arith.constant 0 : i32
    %dma_start3A_304 = tpu.memref_slice %arg4[%add3A_302, %dma_start3A_303] : memref<16384x1000xf32, #tpu.memory_space<hbm>> -> memref<32x1000xf32, #tpu.memory_space<hbm>>
    %dma_start3A_305 = arith.constant 0 : i32
    %dma_start3A_306 = tpu.memref_slice %arg4[%add3A_302, %dma_start3A_305] : memref<16384x1000xf32, #tpu.memory_space<hbm>> -> memref<32x1000xf32, #tpu.memory_space<hbm>>
    tpu.enqueue_dma source(%arg7 : memref<32x1000xf32, #tpu.memory_space<vmem>>) target(%dma_start3A_306 : memref<32x1000xf32, #tpu.memory_space<hbm>>) target_semaphore(%arg10 : memref<!tpu.dma_semaphore, #tpu.memory_space<semaphore_mem>>)
    %add3A_307 = arith.constant 256 : i32
    %add3A_308 = arith.addi %mul3A_2, %add3A_307 : i32
    %dma_wait3A_309 = arith.constant 0 : i32
    %dma_wait3A_310 = tpu.memref_slice %arg4[%add3A_308, %dma_wait3A_309] : memref<16384x1000xf32, #tpu.memory_space<hbm>> -> memref<32x1000xf32, #tpu.memory_space<hbm>>
    %dma_wait3A_311 = arith.constant 0 : i32
    %dma_wait3A_312 = tpu.memref_slice %arg4[%add3A_308, %dma_wait3A_311] : memref<16384x1000xf32, #tpu.memory_space<hbm>> -> memref<32x1000xf32, #tpu.memory_space<hbm>>
    tpu.wait_dma2 semaphore(%arg11 : memref<!tpu.dma_semaphore, #tpu.memory_space<semaphore_mem>>) src(%arg8 : memref<32x1000xf32, #tpu.memory_space<vmem>>) dst(%dma_wait3A_312 : memref<32x1000xf32, #tpu.memory_space<hbm>>)
    %get3A_313 = arith.constant 256 : index
    %get3A_314 = tpu.vector_load %arg5[%get3A_313] {strides = array<i32>} : memref<512xi32, #tpu.memory_space<vmem>>, vector<16xi32>,
    %add3A_315 = arith.constant 0 : i32
    %add3A_316 = vector.broadcast %add3A_315 : i32 to vector<16xi32>
    %add3A_317 = arith.addi %iota3A, %add3A_316 : vector<16xi32>
    tpu.vector_store_idx %arg8[%add3A_317, %get3A_314], %broadcast_in_dim3A_5 : memref<32x1000xf32, #tpu.memory_space<vmem>>[vector<16xi32>, vector<16xi32>], vector<16xf32>,
    %get3A_318 = arith.constant 272 : index
    %get3A_319 = tpu.vector_load %arg5[%get3A_318] {strides = array<i32>} : memref<512xi32, #tpu.memory_space<vmem>>, vector<16xi32>,
    %add3A_320 = arith.constant 16 : i32
    %add3A_321 = vector.broadcast %add3A_320 : i32 to vector<16xi32>
    %add3A_322 = arith.addi %iota3A, %add3A_321 : vector<16xi32>
    tpu.vector_store_idx %arg8[%add3A_322, %get3A_319], %broadcast_in_dim3A_5 : memref<32x1000xf32, #tpu.memory_space<vmem>>[vector<16xi32>, vector<16xi32>], vector<16xf32>,
    %get3A_323 = arith.constant 352 : index
    %get3A_324 = tpu.vector_load %arg5[%get3A_323] {strides = array<i32>} : memref<512xi32, #tpu.memory_space<vmem>>, vector<16xi32>,
    %add3A_325 = arith.constant 0 : i32
    %add3A_326 = vector.broadcast %add3A_325 : i32 to vector<16xi32>
    %add3A_327 = arith.addi %iota3A, %add3A_326 : vector<16xi32>
    tpu.vector_store_idx %arg8[%add3A_327, %get3A_324], %broadcast_in_dim3A_3 : memref<32x1000xf32, #tpu.memory_space<vmem>>[vector<16xi32>, vector<16xi32>], vector<16xf32>,
    %get3A_328 = arith.constant 368 : index
    %get3A_329 = tpu.vector_load %arg5[%get3A_328] {strides = array<i32>} : memref<512xi32, #tpu.memory_space<vmem>>, vector<16xi32>,
    %add3A_330 = arith.constant 16 : i32
    %add3A_331 = vector.broadcast %add3A_330 : i32 to vector<16xi32>
    %add3A_332 = arith.addi %iota3A, %add3A_331 : vector<16xi32>
    tpu.vector_store_idx %arg8[%add3A_332, %get3A_329], %broadcast_in_dim3A_3 : memref<32x1000xf32, #tpu.memory_space<vmem>>[vector<16xi32>, vector<16xi32>], vector<16xf32>,
    %add3A_333 = arith.constant 352 : i32
    %add3A_334 = arith.addi %mul3A_2, %add3A_333 : i32
    %dma_start3A_335 = arith.constant 0 : i32
    %dma_start3A_336 = tpu.memref_slice %arg4[%add3A_334, %dma_start3A_335] : memref<16384x1000xf32, #tpu.memory_space<hbm>> -> memref<32x1000xf32, #tpu.memory_space<hbm>>
    %dma_start3A_337 = arith.constant 0 : i32
    %dma_start3A_338 = tpu.memref_slice %arg4[%add3A_334, %dma_start3A_337] : memref<16384x1000xf32, #tpu.memory_space<hbm>> -> memref<32x1000xf32, #tpu.memory_space<hbm>>
    tpu.enqueue_dma source(%arg8 : memref<32x1000xf32, #tpu.memory_space<vmem>>) target(%dma_start3A_338 : memref<32x1000xf32, #tpu.memory_space<hbm>>) target_semaphore(%arg11 : memref<!tpu.dma_semaphore, #tpu.memory_space<semaphore_mem>>)
    %add3A_339 = arith.constant 288 : i32
    %add3A_340 = arith.addi %mul3A_2, %add3A_339 : i32
    %dma_wait3A_341 = arith.constant 0 : i32
    %dma_wait3A_342 = tpu.memref_slice %arg4[%add3A_340, %dma_wait3A_341] : memref<16384x1000xf32, #tpu.memory_space<hbm>> -> memref<32x1000xf32, #tpu.memory_space<hbm>>
    %dma_wait3A_343 = arith.constant 0 : i32
    %dma_wait3A_344 = tpu.memref_slice %arg4[%add3A_340, %dma_wait3A_343] : memref<16384x1000xf32, #tpu.memory_space<hbm>> -> memref<32x1000xf32, #tpu.memory_space<hbm>>
    tpu.wait_dma2 semaphore(%arg9 : memref<!tpu.dma_semaphore, #tpu.memory_space<semaphore_mem>>) src(%arg6 : memref<32x1000xf32, #tpu.memory_space<vmem>>) dst(%dma_wait3A_344 : memref<32x1000xf32, #tpu.memory_space<hbm>>)
    %get3A_345 = arith.constant 288 : index
    %get3A_346 = tpu.vector_load %arg5[%get3A_345] {strides = array<i32>} : memref<512xi32, #tpu.memory_space<vmem>>, vector<16xi32>,
    %add3A_347 = arith.constant 0 : i32
    %add3A_348 = vector.broadcast %add3A_347 : i32 to vector<16xi32>
    %add3A_349 = arith.addi %iota3A, %add3A_348 : vector<16xi32>
    tpu.vector_store_idx %arg6[%add3A_349, %get3A_346], %broadcast_in_dim3A_5 : memref<32x1000xf32, #tpu.memory_space<vmem>>[vector<16xi32>, vector<16xi32>], vector<16xf32>,
    %get3A_350 = arith.constant 304 : index
    %get3A_351 = tpu.vector_load %arg5[%get3A_350] {strides = array<i32>} : memref<512xi32, #tpu.memory_space<vmem>>, vector<16xi32>,
    %add3A_352 = arith.constant 16 : i32
    %add3A_353 = vector.broadcast %add3A_352 : i32 to vector<16xi32>
    %add3A_354 = arith.addi %iota3A, %add3A_353 : vector<16xi32>
    tpu.vector_store_idx %arg6[%add3A_354, %get3A_351], %broadcast_in_dim3A_5 : memref<32x1000xf32, #tpu.memory_space<vmem>>[vector<16xi32>, vector<16xi32>], vector<16xf32>,
    %get3A_355 = arith.constant 384 : index
    %get3A_356 = tpu.vector_load %arg5[%get3A_355] {strides = array<i32>} : memref<512xi32, #tpu.memory_space<vmem>>, vector<16xi32>,
    %add3A_357 = arith.constant 0 : i32
    %add3A_358 = vector.broadcast %add3A_357 : i32 to vector<16xi32>
    %add3A_359 = arith.addi %iota3A, %add3A_358 : vector<16xi32>
    tpu.vector_store_idx %arg6[%add3A_359, %get3A_356], %broadcast_in_dim3A_3 : memref<32x1000xf32, #tpu.memory_space<vmem>>[vector<16xi32>, vector<16xi32>], vector<16xf32>,
    %get3A_360 = arith.constant 400 : index
    %get3A_361 = tpu.vector_load %arg5[%get3A_360] {strides = array<i32>} : memref<512xi32, #tpu.memory_space<vmem>>, vector<16xi32>,
    %add3A_362 = arith.constant 16 : i32
    %add3A_363 = vector.broadcast %add3A_362 : i32 to vector<16xi32>
    %add3A_364 = arith.addi %iota3A, %add3A_363 : vector<16xi32>
    tpu.vector_store_idx %arg6[%add3A_364, %get3A_361], %broadcast_in_dim3A_3 : memref<32x1000xf32, #tpu.memory_space<vmem>>[vector<16xi32>, vector<16xi32>], vector<16xf32>,
    %add3A_365 = arith.constant 384 : i32
    %add3A_366 = arith.addi %mul3A_2, %add3A_365 : i32
    %dma_start3A_367 = arith.constant 0 : i32
    %dma_start3A_368 = tpu.memref_slice %arg4[%add3A_366, %dma_start3A_367] : memref<16384x1000xf32, #tpu.memory_space<hbm>> -> memref<32x1000xf32, #tpu.memory_space<hbm>>
    %dma_start3A_369 = arith.constant 0 : i32
    %dma_start3A_370 = tpu.memref_slice %arg4[%add3A_366, %dma_start3A_369] : memref<16384x1000xf32, #tpu.memory_space<hbm>> -> memref<32x1000xf32, #tpu.memory_space<hbm>>
    tpu.enqueue_dma source(%arg6 : memref<32x1000xf32, #tpu.memory_space<vmem>>) target(%dma_start3A_370 : memref<32x1000xf32, #tpu.memory_space<hbm>>) target_semaphore(%arg9 : memref<!tpu.dma_semaphore, #tpu.memory_space<semaphore_mem>>)
    %add3A_371 = arith.constant 320 : i32
    %add3A_372 = arith.addi %mul3A_2, %add3A_371 : i32
    %dma_wait3A_373 = arith.constant 0 : i32
    %dma_wait3A_374 = tpu.memref_slice %arg4[%add3A_372, %dma_wait3A_373] : memref<16384x1000xf32, #tpu.memory_space<hbm>> -> memref<32x1000xf32, #tpu.memory_space<hbm>>
    %dma_wait3A_375 = arith.constant 0 : i32
    %dma_wait3A_376 = tpu.memref_slice %arg4[%add3A_372, %dma_wait3A_375] : memref<16384x1000xf32, #tpu.memory_space<hbm>> -> memref<32x1000xf32, #tpu.memory_space<hbm>>
    tpu.wait_dma2 semaphore(%arg10 : memref<!tpu.dma_semaphore, #tpu.memory_space<semaphore_mem>>) src(%arg7 : memref<32x1000xf32, #tpu.memory_space<vmem>>) dst(%dma_wait3A_376 : memref<32x1000xf32, #tpu.memory_space<hbm>>)
    %get3A_377 = arith.constant 320 : index
    %get3A_378 = tpu.vector_load %arg5[%get3A_377] {strides = array<i32>} : memref<512xi32, #tpu.memory_space<vmem>>, vector<16xi32>,
    %add3A_379 = arith.constant 0 : i32
    %add3A_380 = vector.broadcast %add3A_379 : i32 to vector<16xi32>
    %add3A_381 = arith.addi %iota3A, %add3A_380 : vector<16xi32>
    tpu.vector_store_idx %arg7[%add3A_381, %get3A_378], %broadcast_in_dim3A_5 : memref<32x1000xf32, #tpu.memory_space<vmem>>[vector<16xi32>, vector<16xi32>], vector<16xf32>,
    %get3A_382 = arith.constant 336 : index
    %get3A_383 = tpu.vector_load %arg5[%get3A_382] {strides = array<i32>} : memref<512xi32, #tpu.memory_space<vmem>>, vector<16xi32>,
    %add3A_384 = arith.constant 16 : i32
    %add3A_385 = vector.broadcast %add3A_384 : i32 to vector<16xi32>
    %add3A_386 = arith.addi %iota3A, %add3A_385 : vector<16xi32>
    tpu.vector_store_idx %arg7[%add3A_386, %get3A_383], %broadcast_in_dim3A_5 : memref<32x1000xf32, #tpu.memory_space<vmem>>[vector<16xi32>, vector<16xi32>], vector<16xf32>,
    %get3A_387 = arith.constant 416 : index
    %get3A_388 = tpu.vector_load %arg5[%get3A_387] {strides = array<i32>} : memref<512xi32, #tpu.memory_space<vmem>>, vector<16xi32>,
    %add3A_389 = arith.constant 0 : i32
    %add3A_390 = vector.broadcast %add3A_389 : i32 to vector<16xi32>
    %add3A_391 = arith.addi %iota3A, %add3A_390 : vector<16xi32>
    tpu.vector_store_idx %arg7[%add3A_391, %get3A_388], %broadcast_in_dim3A_3 : memref<32x1000xf32, #tpu.memory_space<vmem>>[vector<16xi32>, vector<16xi32>], vector<16xf32>,
    %get3A_392 = arith.constant 432 : index
    %get3A_393 = tpu.vector_load %arg5[%get3A_392] {strides = array<i32>} : memref<512xi32, #tpu.memory_space<vmem>>, vector<16xi32>,
    %add3A_394 = arith.constant 16 : i32
    %add3A_395 = vector.broadcast %add3A_394 : i32 to vector<16xi32>
    %add3A_396 = arith.addi %iota3A, %add3A_395 : vector<16xi32>
    tpu.vector_store_idx %arg7[%add3A_396, %get3A_393], %broadcast_in_dim3A_3 : memref<32x1000xf32, #tpu.memory_space<vmem>>[vector<16xi32>, vector<16xi32>], vector<16xf32>,
    %add3A_397 = arith.constant 416 : i32
    %add3A_398 = arith.addi %mul3A_2, %add3A_397 : i32
    %dma_start3A_399 = arith.constant 0 : i32
    %dma_start3A_400 = tpu.memref_slice %arg4[%add3A_398, %dma_start3A_399] : memref<16384x1000xf32, #tpu.memory_space<hbm>> -> memref<32x1000xf32, #tpu.memory_space<hbm>>
    %dma_start3A_401 = arith.constant 0 : i32
    %dma_start3A_402 = tpu.memref_slice %arg4[%add3A_398, %dma_start3A_401] : memref<16384x1000xf32, #tpu.memory_space<hbm>> -> memref<32x1000xf32, #tpu.memory_space<hbm>>
    tpu.enqueue_dma source(%arg7 : memref<32x1000xf32, #tpu.memory_space<vmem>>) target(%dma_start3A_402 : memref<32x1000xf32, #tpu.memory_space<hbm>>) target_semaphore(%arg10 : memref<!tpu.dma_semaphore, #tpu.memory_space<semaphore_mem>>)
    %add3A_403 = arith.constant 352 : i32
    %add3A_404 = arith.addi %mul3A_2, %add3A_403 : i32
    %dma_wait3A_405 = arith.constant 0 : i32
    %dma_wait3A_406 = tpu.memref_slice %arg4[%add3A_404, %dma_wait3A_405] : memref<16384x1000xf32, #tpu.memory_space<hbm>> -> memref<32x1000xf32, #tpu.memory_space<hbm>>
    %dma_wait3A_407 = arith.constant 0 : i32
    %dma_wait3A_408 = tpu.memref_slice %arg4[%add3A_404, %dma_wait3A_407] : memref<16384x1000xf32, #tpu.memory_space<hbm>> -> memref<32x1000xf32, #tpu.memory_space<hbm>>
    tpu.wait_dma2 semaphore(%arg11 : memref<!tpu.dma_semaphore, #tpu.memory_space<semaphore_mem>>) src(%arg8 : memref<32x1000xf32, #tpu.memory_space<vmem>>) dst(%dma_wait3A_408 : memref<32x1000xf32, #tpu.memory_space<hbm>>)
    %get3A_409 = arith.constant 352 : index
    %get3A_410 = tpu.vector_load %arg5[%get3A_409] {strides = array<i32>} : memref<512xi32, #tpu.memory_space<vmem>>, vector<16xi32>,
    %add3A_411 = arith.constant 0 : i32
    %add3A_412 = vector.broadcast %add3A_411 : i32 to vector<16xi32>
    %add3A_413 = arith.addi %iota3A, %add3A_412 : vector<16xi32>
    tpu.vector_store_idx %arg8[%add3A_413, %get3A_410], %broadcast_in_dim3A_5 : memref<32x1000xf32, #tpu.memory_space<vmem>>[vector<16xi32>, vector<16xi32>], vector<16xf32>,
    %get3A_414 = arith.constant 368 : index
    %get3A_415 = tpu.vector_load %arg5[%get3A_414] {strides = array<i32>} : memref<512xi32, #tpu.memory_space<vmem>>, vector<16xi32>,
    %add3A_416 = arith.constant 16 : i32
    %add3A_417 = vector.broadcast %add3A_416 : i32 to vector<16xi32>
    %add3A_418 = arith.addi %iota3A, %add3A_417 : vector<16xi32>
    tpu.vector_store_idx %arg8[%add3A_418, %get3A_415], %broadcast_in_dim3A_5 : memref<32x1000xf32, #tpu.memory_space<vmem>>[vector<16xi32>, vector<16xi32>], vector<16xf32>,
    %get3A_419 = arith.constant 448 : index
    %get3A_420 = tpu.vector_load %arg5[%get3A_419] {strides = array<i32>} : memref<512xi32, #tpu.memory_space<vmem>>, vector<16xi32>,
    %add3A_421 = arith.constant 0 : i32
    %add3A_422 = vector.broadcast %add3A_421 : i32 to vector<16xi32>
    %add3A_423 = arith.addi %iota3A, %add3A_422 : vector<16xi32>
    tpu.vector_store_idx %arg8[%add3A_423, %get3A_420], %broadcast_in_dim3A_3 : memref<32x1000xf32, #tpu.memory_space<vmem>>[vector<16xi32>, vector<16xi32>], vector<16xf32>,
    %get3A_424 = arith.constant 464 : index
    %get3A_425 = tpu.vector_load %arg5[%get3A_424] {strides = array<i32>} : memref<512xi32, #tpu.memory_space<vmem>>, vector<16xi32>,
    %add3A_426 = arith.constant 16 : i32
    %add3A_427 = vector.broadcast %add3A_426 : i32 to vector<16xi32>
    %add3A_428 = arith.addi %iota3A, %add3A_427 : vector<16xi32>
    tpu.vector_store_idx %arg8[%add3A_428, %get3A_425], %broadcast_in_dim3A_3 : memref<32x1000xf32, #tpu.memory_space<vmem>>[vector<16xi32>, vector<16xi32>], vector<16xf32>,
    %add3A_429 = arith.constant 448 : i32
    %add3A_430 = arith.addi %mul3A_2, %add3A_429 : i32
    %dma_start3A_431 = arith.constant 0 : i32
    %dma_start3A_432 = tpu.memref_slice %arg4[%add3A_430, %dma_start3A_431] : memref<16384x1000xf32, #tpu.memory_space<hbm>> -> memref<32x1000xf32, #tpu.memory_space<hbm>>
    %dma_start3A_433 = arith.constant 0 : i32
    %dma_start3A_434 = tpu.memref_slice %arg4[%add3A_430, %dma_start3A_433] : memref<16384x1000xf32, #tpu.memory_space<hbm>> -> memref<32x1000xf32, #tpu.memory_space<hbm>>
    tpu.enqueue_dma source(%arg8 : memref<32x1000xf32, #tpu.memory_space<vmem>>) target(%dma_start3A_434 : memref<32x1000xf32, #tpu.memory_space<hbm>>) target_semaphore(%arg11 : memref<!tpu.dma_semaphore, #tpu.memory_space<semaphore_mem>>)
    %add3A_435 = arith.constant 384 : i32
    %add3A_436 = arith.addi %mul3A_2, %add3A_435 : i32
    %dma_wait3A_437 = arith.constant 0 : i32
    %dma_wait3A_438 = tpu.memref_slice %arg4[%add3A_436, %dma_wait3A_437] : memref<16384x1000xf32, #tpu.memory_space<hbm>> -> memref<32x1000xf32, #tpu.memory_space<hbm>>
    %dma_wait3A_439 = arith.constant 0 : i32
    %dma_wait3A_440 = tpu.memref_slice %arg4[%add3A_436, %dma_wait3A_439] : memref<16384x1000xf32, #tpu.memory_space<hbm>> -> memref<32x1000xf32, #tpu.memory_space<hbm>>
    tpu.wait_dma2 semaphore(%arg9 : memref<!tpu.dma_semaphore, #tpu.memory_space<semaphore_mem>>) src(%arg6 : memref<32x1000xf32, #tpu.memory_space<vmem>>) dst(%dma_wait3A_440 : memref<32x1000xf32, #tpu.memory_space<hbm>>)
    %get3A_441 = arith.constant 384 : index
    %get3A_442 = tpu.vector_load %arg5[%get3A_441] {strides = array<i32>} : memref<512xi32, #tpu.memory_space<vmem>>, vector<16xi32>,
    %add3A_443 = arith.constant 0 : i32
    %add3A_444 = vector.broadcast %add3A_443 : i32 to vector<16xi32>
    %add3A_445 = arith.addi %iota3A, %add3A_444 : vector<16xi32>
    tpu.vector_store_idx %arg6[%add3A_445, %get3A_442], %broadcast_in_dim3A_5 : memref<32x1000xf32, #tpu.memory_space<vmem>>[vector<16xi32>, vector<16xi32>], vector<16xf32>,
    %get3A_446 = arith.constant 400 : index
    %get3A_447 = tpu.vector_load %arg5[%get3A_446] {strides = array<i32>} : memref<512xi32, #tpu.memory_space<vmem>>, vector<16xi32>,
    %add3A_448 = arith.constant 16 : i32
    %add3A_449 = vector.broadcast %add3A_448 : i32 to vector<16xi32>
    %add3A_450 = arith.addi %iota3A, %add3A_449 : vector<16xi32>
    tpu.vector_store_idx %arg6[%add3A_450, %get3A_447], %broadcast_in_dim3A_5 : memref<32x1000xf32, #tpu.memory_space<vmem>>[vector<16xi32>, vector<16xi32>], vector<16xf32>,
    %get3A_451 = arith.constant 480 : index
    %get3A_452 = tpu.vector_load %arg5[%get3A_451] {strides = array<i32>} : memref<512xi32, #tpu.memory_space<vmem>>, vector<16xi32>,
    %add3A_453 = arith.constant 0 : i32
    %add3A_454 = vector.broadcast %add3A_453 : i32 to vector<16xi32>
    %add3A_455 = arith.addi %iota3A, %add3A_454 : vector<16xi32>
    tpu.vector_store_idx %arg6[%add3A_455, %get3A_452], %broadcast_in_dim3A_3 : memref<32x1000xf32, #tpu.memory_space<vmem>>[vector<16xi32>, vector<16xi32>], vector<16xf32>,
    %get3A_456 = arith.constant 496 : index
    %get3A_457 = tpu.vector_load %arg5[%get3A_456] {strides = array<i32>} : memref<512xi32, #tpu.memory_space<vmem>>, vector<16xi32>,
    %add3A_458 = arith.constant 16 : i32
    %add3A_459 = vector.broadcast %add3A_458 : i32 to vector<16xi32>
    %add3A_460 = arith.addi %iota3A, %add3A_459 : vector<16xi32>
    tpu.vector_store_idx %arg6[%add3A_460, %get3A_457], %broadcast_in_dim3A_3 : memref<32x1000xf32, #tpu.memory_space<vmem>>[vector<16xi32>, vector<16xi32>], vector<16xf32>,
    %add3A_461 = arith.constant 480 : i32
    %add3A_462 = arith.addi %mul3A_2, %add3A_461 : i32
    %dma_start3A_463 = arith.constant 0 : i32
    %dma_start3A_464 = tpu.memref_slice %arg4[%add3A_462, %dma_start3A_463] : memref<16384x1000xf32, #tpu.memory_space<hbm>> -> memref<32x1000xf32, #tpu.memory_space<hbm>>
    %dma_start3A_465 = arith.constant 0 : i32
    %dma_start3A_466 = tpu.memref_slice %arg4[%add3A_462, %dma_start3A_465] : memref<16384x1000xf32, #tpu.memory_space<hbm>> -> memref<32x1000xf32, #tpu.memory_space<hbm>>
    tpu.enqueue_dma source(%arg6 : memref<32x1000xf32, #tpu.memory_space<vmem>>) target(%dma_start3A_466 : memref<32x1000xf32, #tpu.memory_space<hbm>>) target_semaphore(%arg9 : memref<!tpu.dma_semaphore, #tpu.memory_space<semaphore_mem>>)
    %add3A_467 = arith.constant 416 : i32
    %add3A_468 = arith.addi %mul3A_2, %add3A_467 : i32
    %dma_wait3A_469 = arith.constant 0 : i32
    %dma_wait3A_470 = tpu.memref_slice %arg4[%add3A_468, %dma_wait3A_469] : memref<16384x1000xf32, #tpu.memory_space<hbm>> -> memref<32x1000xf32, #tpu.memory_space<hbm>>
    %dma_wait3A_471 = arith.constant 0 : i32
    %dma_wait3A_472 = tpu.memref_slice %arg4[%add3A_468, %dma_wait3A_471] : memref<16384x1000xf32, #tpu.memory_space<hbm>> -> memref<32x1000xf32, #tpu.memory_space<hbm>>
    tpu.wait_dma2 semaphore(%arg10 : memref<!tpu.dma_semaphore, #tpu.memory_space<semaphore_mem>>) src(%arg7 : memref<32x1000xf32, #tpu.memory_space<vmem>>) dst(%dma_wait3A_472 : memref<32x1000xf32, #tpu.memory_space<hbm>>)
    %add3A_473 = arith.constant 448 : i32
    %add3A_474 = arith.addi %mul3A_2, %add3A_473 : i32
    %dma_wait3A_475 = arith.constant 0 : i32
    %dma_wait3A_476 = tpu.memref_slice %arg4[%add3A_474, %dma_wait3A_475] : memref<16384x1000xf32, #tpu.memory_space<hbm>> -> memref<32x1000xf32, #tpu.memory_space<hbm>>
    %dma_wait3A_477 = arith.constant 0 : i32
    %dma_wait3A_478 = tpu.memref_slice %arg4[%add3A_474, %dma_wait3A_477] : memref<16384x1000xf32, #tpu.memory_space<hbm>> -> memref<32x1000xf32, #tpu.memory_space<hbm>>
    tpu.wait_dma2 semaphore(%arg11 : memref<!tpu.dma_semaphore, #tpu.memory_space<semaphore_mem>>) src(%arg8 : memref<32x1000xf32, #tpu.memory_space<vmem>>) dst(%dma_wait3A_478 : memref<32x1000xf32, #tpu.memory_space<hbm>>)
    %add3A_479 = arith.constant 480 : i32
    %add3A_480 = arith.addi %mul3A_2, %add3A_479 : i32
    %dma_wait3A_481 = arith.constant 0 : i32
    %dma_wait3A_482 = tpu.memref_slice %arg4[%add3A_480, %dma_wait3A_481] : memref<16384x1000xf32, #tpu.memory_space<hbm>> -> memref<32x1000xf32, #tpu.memory_space<hbm>>
    %dma_wait3A_483 = arith.constant 0 : i32
    %dma_wait3A_484 = tpu.memref_slice %arg4[%add3A_480, %dma_wait3A_483] : memref<16384x1000xf32, #tpu.memory_space<hbm>> -> memref<32x1000xf32, #tpu.memory_space<hbm>>
    tpu.wait_dma2 semaphore(%arg9 : memref<!tpu.dma_semaphore, #tpu.memory_space<semaphore_mem>>) src(%arg6 : memref<32x1000xf32, #tpu.memory_space<vmem>>) dst(%dma_wait3A_484 : memref<32x1000xf32, #tpu.memory_space<hbm>>)
    return
  }
}

</mosaic_0001>

<sc_bundles>
// kernel: kernel.3.cloned.1.call-start
scs
__scs_entry_jumppad:
0x0: {  	(pc) =	sbr.rel $0x88, $3  }
0x1: {  	(tag) =	ssettag $0x0;
	lr =	simm.s32 $0x1  }
0x2: {  	[smem:$0x3FA0] =	sst lr;
	_ =	strace $0xD0000000  }
0x3: {  	_ = 	snop  }
0x4: {  	_ = 	snop  }
0x5: {  	_ = 	snop  }
0x6: {  	_ = 	snop  }
0x7: {  	_ = 	snop  }
__scs_overlays_trampoline_lowered:
0x8: {  	[smem:$0x3FAF] =	sst s0  }
0x9: {  	[smem:$0x3FB0] =	sst s1  }
0xa: {  	[smem:$0x3FB1] =	sst s2  }
0xb: {  	[smem:$0x3FB2] =	sst s3  }
0xc: {  	[smem:$0x3FB3] =	sst s4  }
0xd: {  	[smem:$0x3FB4] =	sst s5  }
0xe: {  	[smem:$0x3FB5] =	sst s6  }
0xf: {  	[smem:$0x3FB6] =	sst s7  }
0x10: {  	[smem:$0x3FB7] =	sst s8  }
0x11: {  	[smem:$0x3FB8] =	sst s9;
	s0 =	simm.s32 @!p0 $0x0  }
0x12: {  	s1 =	sld [smem:$0x3F9E];
	s0 =	simm.s32 @p0 $0x1  }
0x13: {  	[smem:$0x3FB9] =	sst s0;
	s0 =	simm.s32 @!p1 $0x0  }
0x14: {  	s2 =	sld [smem:$0x3F9D];
	s0 =	simm.s32 @p1 $0x1  }
0x15: {  	[smem:$0x3FBA] =	sst s0;
	s0 =	simm.s32 @!p2 $0x0  }
0x16: {  	s3 =	sld [smem:$0x3FDB];
	s0 =	simm.s32 @p2 $0x1  }
0x17: {  	s4 =	simm.s32 $0x1BF5;
	[smem:$0x3FBC] =	sst s0  }
0x18: {  	s0 =	sld [smem:$0x3F9F];
	_ =	swait.ge [sflag:s4], $0x0  }
0x19: {  	s7 =	sld [smem:$0x3FA0]  }
0x1a: {  	s8 =	sadd.s32 $0xFFFFE003, lr  }
0x1b: {  	s9 =	sadd.s32 $0xFFFFFEF7, lr;
	s5 =	simm.s32 $0xFFFFFFFF;
	p2 =	slt.u32 s8, $0xFFFFF086  }
0x1c: {  	p1 =	slt.u32 s9, $0xF7A;
	s5 =	simm.s32 @!p2 $0x0  }
0x1d: {  	s5 =	simm.s32 @p1 $0x1;
	p0 =	seq.s32 s7, s2  }
0x1e: {  	s7 =	smul.u32 @!p0 $0xF7A, s2;
	p2 =	seq.s32 @!p0 s5, $0x0  }
0x1f: {  	s9 =	smul.u32 $0xF7A, s1;
	s8 =	simm.s32 @!p0 $0x1BF5;
	p2 =	por !p2, p0  }
0x20: {  	[sflag:s8] =	ssyncset.s32 @!p0 $0xFFFFF086;
	s6 =	sadd.s32 @!p0 s3, s7;
	s7 =	simm.s32 @!p0 $0x108  }
0x21: {  	s3 =	sadd.s32 s3, s9;
	s6 =	sadd.s32 @!p0 $0x88, s6;
	s7 =	simm.s32 @p2 $0x1082  }
0x22: {  	[simem:s7], [sflag:s8] =	dma.local @!p0 [hbm:s6], $0xF7A  }
0x23: {  	s9 =	sor.u32 $0xD0000000, s2;
	s6 =	simm.s32 $0x108;
	_ =	swait.ge @!p0 [sflag:s8], $0x0  }
0x24: {  	s3 =	sadd.s32 $0x88, s3;
	s6 =	simm.s32 @!p1 $0x1082;
	[sflag:s4] =	ssyncset.s32 $0xFFFFF086  }
0x25: {  	[simem:s6], [sflag:s4] =	dma.local [hbm:s3], $0xF7A  }
0x26: {  	[smem:$0x3FA0] =	sst s1;
	(tag) =	ssettag s2;
	_ =	strace s9  }
0x27: {  	s1 =	sld [smem:$0x3FB0]  }
0x28: {  	s2 =	sld [smem:$0x3FB1]  }
0x29: {  	s4 =	sld [smem:$0x3FB3]  }
0x2a: {  	p0 =	seq.s32 s5, $0x0;
	s5 =	sld [smem:$0x3FB4]  }
0x2b: {  	s6 =	sld [smem:$0x3FB5]  }
0x2c: {  	s7 =	sld [smem:$0x3FB6]  }
0x2d: {  	s3 =	simm.s32 $0x108;
	s8 =	sld [smem:$0x3FB7]  }
0x2e: {  	s3 =	simm.s32 @!p0 $0x1082;
	s9 =	sld [smem:$0x3FB8]  }
0x2f: {  	lr =	sadd.s32 s0, s3;
	s0 =	sld [smem:$0x3FAF]  }
0x30: {  	s3 =	sld [smem:$0x3FB2]  }
0x31: {  	[smem:$0x3FBB] =	sst s10  }
0x32: {  	s10 =	sld [smem:$0x3FB9];
	_ =	sdelay $0x3  }
0x33: {  	p0 =	seq.s32 s10, $0x1;
	s10 =	sld [smem:$0x3FBB];
	_ =	sdelay $0x3  }
0x34: {  	[smem:$0x3FBB] =	sst s10  }
0x35: {  	s10 =	sld [smem:$0x3FBA];
	_ =	sdelay $0x3  }
0x36: {  	p1 =	seq.s32 s10, $0x1;
	s10 =	sld [smem:$0x3FBB];
	_ =	sdelay $0x3  }
0x37: {  	[smem:$0x3FBB] =	sst s10  }
0x38: {  	s10 =	sld [smem:$0x3FBC]  }
0x39: {  	_ = 	snop;
	(pc) =	sbr.ind lr, $3  }
0x3a: {  	_ = 	snop  }
0x3b: {  	_ = 	snop  }
0x3c: {  	p2 =	seq.s32 s10, $0x1;
	s10 =	sld [smem:$0x3FBB]  }
0x3d: {  	_ =	shalt  }
0x3e: {  	_ =	shalt  }
0x3f: {  	_ =	shalt  }
0x40: {  	_ =	shalt  }
0x41: {  	_ =	shalt  }
0x42: {  	_ =	shalt  }
0x43: {  	_ =	shalt  }
0x44: {  	_ =	shalt  }
0x45: {  	_ =	shalt  }
0x46: {  	_ =	shalt  }
0x47: {  	_ =	shalt  }
0x48: {  	_ =	shalt  }
0x49: {  	_ =	shalt  }
0x4a: {  	_ =	shalt  }
0x4b: {  	_ =	shalt  }
0x4c: {  	_ =	shalt  }
0x4d: {  	_ =	shalt  }
0x4e: {  	_ =	shalt  }
0x4f: {  	_ =	shalt  }
0x50: {  	_ =	shalt  }
0x51: {  	_ =	shalt  }
0x52: {  	_ =	shalt  }
0x53: {  	_ =	shalt  }
0x54: {  	_ =	shalt  }
0x55: {  	_ =	shalt  }
0x56: {  	_ =	shalt  }
0x57: {  	_ =	shalt  }
0x58: {  	_ =	shalt  }
0x59: {  	_ =	shalt  }
0x5a: {  	_ =	shalt  }
0x5b: {  	_ =	shalt  }
0x5c: {  	_ =	shalt  }
0x5d: {  	_ =	shalt  }
0x5e: {  	_ =	shalt  }
0x5f: {  	_ =	shalt  }
0x60: {  	_ =	shalt  }
0x61: {  	_ =	shalt  }
0x62: {  	_ =	shalt  }
0x63: {  	_ =	shalt  }
0x64: {  	_ =	shalt  }
0x65: {  	_ =	shalt  }
0x66: {  	_ =	shalt  }
0x67: {  	_ =	shalt  }
0x68: {  	_ =	shalt  }
0x69: {  	_ =	shalt  }
0x6a: {  	_ =	shalt  }
0x6b: {  	_ =	shalt  }
0x6c: {  	_ =	shalt  }
0x6d: {  	_ =	shalt  }
0x6e: {  	_ =	shalt  }
0x6f: {  	_ =	shalt  }
0x70: {  	_ =	shalt  }
0x71: {  	_ =	shalt  }
0x72: {  	_ =	shalt  }
0x73: {  	_ =	shalt  }
0x74: {  	_ =	shalt  }
0x75: {  	_ =	shalt  }
0x76: {  	_ =	shalt  }
0x77: {  	_ =	shalt  }
0x78: {  	_ =	shalt  }
0x79: {  	_ =	shalt  }
0x7a: {  	_ =	shalt  }
0x7b: {  	_ =	shalt  }
0x7c: {  	_ =	shalt  }
0x7d: {  	_ =	shalt  }
0x7e: {  	_ =	shalt  }
0x7f: {  	_ =	shalt  }
0x80: {  	_ =	shalt  }
0x81: {  	_ =	shalt  }
0x82: {  	_ =	shalt  }
0x83: {  	_ =	shalt  }
0x84: {  	_ =	shalt  }
0x85: {  	_ =	shalt  }
0x86: {  	_ =	shalt  }
0x87: {  	_ =	shalt  }
.Lfunc_end0:
.L_simem_size_0:
called_computation_lowered:
.L_overlay_start_0:
0x88: {  	s2 =	sld [smem:$0x3FD9]  }
0x89: {  	s3 =	sld [smem:$0x3FFE];
	_ =	sdelay $0x1  }
0x8a: {  	s1 =	srdreg.scid  }
0x8b: {  	s0 =	sand.u32 $0x1, s1  }
0x8c: {  	s17 =	sshll.u32 s0, $0xA;
	s2 =	sadd.s32 s3, s2  }
0x8d: {  	s2 =	sadd.s32 s2, s17  }
0x8e: {  	[smem:$0x3FC7] =	sst s2  }
0x8f: {  	_ = 	snop  }
0x90: {  	s2 =	sld [smem:$0x3FC9]  }
0x91: {  	s18 =	sld [smem:$0x3FD0];
	(tm) =	ssettm $0x1  }
0x92: {  	s4 =	sld [smem:$0x3FFB];
	_ =	sdelay $0x3  }
0x93: {  	_ =	strace s4  }
0x94: {  	s4 =	sld [smem:$0x3FFC];
	_ =	sdelay $0x3  }
0x95: {  	_ =	strace s4  }
0x96: {  	s4 =	sld [smem:$0x3FFD];
	_ =	sdelay $0x3  }
0x97: {  	_ =	strace s4  }
0x98: {  	_ =	strace $0x8FFFFFFF  }
0x99: {  	s19 =	sld [smem:$0x3FDB];
	_ =	sdelay $0x1  }
0x9a: {  	s5 =	simm.s32 $_scs_section_size  }
0x9b: {  	s6 =	simm.s32 $_size__tile_overlayer_lowered;
	s7 =	simm.s32 $_tile_overlayer_lowered  }
0x9c: {  	s22 =	simm.s32 $0x1BFF;
	s21 =	sshll.u32 s7, $0x1;
	s4 =	sadd.s32 s5, s19  }
0x9d: {  	s8 =	simm.s32 $0x0;
	s20 =	sshll.u32 s6, $0x1;
	s6 =	sadd.s32 s21, s4  }
0x9e: {  	[timem:s8], [sflag:s22] =	dma.local [hbm:s6], s20  }
0x9f: {  	_ =	swait.ge [sflag:s22], s20  }
0xa0: {  	s5 =	ssub.s32 $0x0, s20;
	[sflag:s22] =	ssyncset.done $0x0  }
0xa1: {  	[sflag:s22] =	ssyncadd.s32 s5;
	_ =	sdelay $0x1  }
0xa2: {  	s23 =	simm.s32 $0x1B8B  }
0xa3: {  	_ =	swait.ge [sflag:s23], $0x1  }
0xa4: {  	[sflag:s23] =	ssyncset.done $0x0  }
0xa5: {  	s25 =	simm.s32 $0x1B8E;
	s24 =	sld [smem:$0x3FFE];
	[sflag:s23] =	ssyncadd.s32 $0xFFFFFFFF  }
0xa6: {  	s26 =	simm.s32 $execute0_lowered;
	[smem:$0x3FD2] =	sst s25  }
0xa7: {  	s6 =	sshll.u32 s26, $0x1;
	_ =	strace $0x80000046;
	[dreg:$0x1] =	wrdreg $0xFFFFFFFF  }
0xa8: {  	s28 =	simm.s32 $_size_execute0_lowered;
	s4 =	sadd.s32 s4, s6;
	[dreg:$0x0] =	wrdreg $0x0  }
0xa9: {  	s6 =	sshll.u32 s28, $0x1;
	[dreg:$0x2] =	wrdreg s4  }
0xaa: {  	[dreg:$0x3] =	wrdreg s6  }
0xab: {  	[dreg:$0x4] =	wrdreg $0xC0  }
0xac: {  	_ =	task [dreg:s8], $0x5FFFF  }
0xad: {  	[dreg:$0x1] =	wrdreg $0xFFFFFFFF  }
0xae: {  	[dreg:$0x0] =	wrdreg $0x60  }
0xaf: {  	[dreg:$0x2] =	wrdreg s2  }
0xb0: {  	[dreg:$0x3] =	wrdreg s18  }
0xb1: {  	[dreg:$0x4] =	wrdreg s24  }
0xb2: {  	[dreg:$0x5] =	wrdreg $0x9  }
0xb3: {  	_ =	task.clear_ibuf [dreg:s8], $0x6FFFF;
	_ =	strace $0x90000046  }
0xb4: {  	s29 =	simm.s32 $0x9;
	_ =	strace $0x80000048  }
0xb5: {  	_ =	swait.ge [sflag:s29], $0x1  }
0xb6: {  	[sflag:s29] =	ssyncadd.s32 $0xFFFFFFFF  }
0xb7: {  	_ =	strace $0x90000048  }
0xb8: {  	_ =	sfence  }
0xb9: {  	s30 =	sld [smem:$0x0];
	_ =	sdelay $0x2  }
0xba: {  	s31 =	sshll.u32 s1, $0xD;
	s1 =	sshrl.u32 s1, $0x2  }
0xbb: {  	s3 =	sand.u32 $0x4000, s31;
	s1 =	sadd.s32 s1, s30  }
0xbc: {  	s0 =	sor.u32 s3, s0;
	s1 =	sshll.u32 s1, $0x11  }
0xbd: {  	s0 =	sor.u32 s1, s0  }
0xbe: {  	s0 =	sadd.s32 $0x8F2B, s0  }
0xbf: {  	[sflag:s0] =	ssyncadd.remote.s32 $0x1  }
0xc0: {  	_ =	sfence.sel $0xFFFF  }
0xc1: {  	[dreg:$0x0] =	wrdreg $0xFFFFFFFF;
	(pc) =	sbr.abs _section_cstart, $3  }
0xc2: {  	[dreg:$0x1] =	wrdreg $0xFFFFFFFF  }
0xc3: {  	_ =	task.clear_ibuf [dreg:s8], $0x2FFFF;
	_ =	strace $0x9FFFFFFF  }
0xc4: {  	(tm) =	ssettm $0x7FFFFFFF  }
0xc5: {  	_ =	shalt  }
tec
execute0_lowered:
.L_overlay_start_1:
0x0: {  	(tag) =	ssettag $0x1  }
0x1: {  	s4 =	rddreg [dreg:$0x0];
	v0 =	vimm.s32 $0x2380  }
0x2: {  	vm0 =	vcmask $0x300;
	s0 =	rddreg [dreg:$0x1];
	vm1 =	vcmask $0x704;
	v1 =	vimm.s32 $0x6380  }
0x3: {  	s5 =	rddreg [dreg:$0x2];
	vm2 =	vcmask $0xB08;
	v0 =	vsel vm0, $0x0, v0;
	v1 =	vsel vm0, $0x4000, v1  }
0x4: {  	s1 =	rddreg [dreg:$0x3];
	s6 =	srdreg.scid;
	vm4 =	vcmask $0xF0C;
	v0 =	vsel vm1, $0x80, v0;
	v1 =	vsel vm1, $0x4080, v1  }
0x5: {  	s3 =	simm.s32 $0x0;
	s2 =	stileid.u32;
	vm5 =	vcmask $0x1310;
	s22 =	simm.s32 $0x4;
	v0 =	vsel vm2, $0x100, v0;
	v1 =	vsel vm2, $0x4100, v1  }
0x6: {  	vm6 =	vcmask $0x1714;
	s23 =	simm.s32 $0x200;
	s24 =	simm.s32 $0x8200;
	s25 =	simm.s32 $0x10200;
	v0 =	vsel vm4, $0x180, v0;
	v1 =	vsel vm4, $0x4180, v1  }
0x7: {  	vm7 =	vcmask $0x1B18;
	s26 =	simm.s32 $0x1;
	s28 =	simm.s32 $0x2;
	s6 =	sand.u32 $0x1, s6;
	v0 =	vsel vm5, $0x200, v0;
	v1 =	vsel vm5, $0x4200, v1  }
0x8: {  	vm8 =	vcmask $0x1F1C;
	s29 =	simm.s32 $0x3;
	s7 =	sshll.u32 s2, $0xA;
	s8 =	sshll.u32 s6, $0x9;
	v0 =	vsel vm6, $0x280, v0;
	v1 =	vsel vm6, $0x4280, v1  }
0x9: {  	vm9 =	vcmask $0x2320;
	[smem:$0x7FF] =	sst s3;
	s6 =	ssub.s32 $0x2, s6;
	s7 =	sor.u32 s8, s7;
	v0 =	vsel vm7, $0x300, v0;
	v1 =	vsel vm7, $0x4300, v1  }
0xa: {  	vm10 =	vcmask $0x2724;
	_ =	strace $0x80000047;
	s9 =	sshrl.u32 s6, $0x1;
	s8 =	sshll.u32 s7, $0x7;
	v0 =	vsel vm8, $0x380, v0;
	v1 =	vsel vm8, $0x4380, v1  }
0xb: {  	vm11 =	vcmask $0x2B28;
	s7 =	sshrl.u32 s7, $0x3;
	s21 =	ssub.s32 s6, s9;
	s20 =	sadd.s32 s8, s5;
	v0 =	vsel vm9, $0x2000, v0;
	v1 =	vsel vm9, $0x6000, v1  }
0xc: {  	vm12 =	vcmask $0x2F2C;
	s4 =	sadd.s32 s4, s7;
	s21 =	smax.u32 s21, $0x1;
	s5 =	sadd.s32 $0x400, s20;
	v0 =	vsel vm10, $0x2080, v0;
	v1 =	vsel vm10, $0x6080, v1  }
0xd: {  	vm13 =	vcmask $0x3330;
	s6 =	sadd.s32 $0x1400, s20;
	s7 =	sadd.s32 $0x2400, s20;
	s8 =	sadd.s32 $0x3400, s20;
	v0 =	vsel vm11, $0x2100, v0;
	v1 =	vsel vm11, $0x6100, v1  }
0xe: {  	vm14 =	vcmask $0x3734;
	s9 =	sadd.s32 $0x4400, s20;
	s10 =	sadd.s32 $0x5400, s20;
	s11 =	sadd.s32 $0x6400, s20;
	v0 =	vsel vm12, $0x2180, v0;
	v1 =	vsel vm12, $0x6180, v1  }
0xf: {  	vm15 =	vcmask $0x3B38;
	s12 =	sadd.s32 $0x7400, s20;
	s13 =	sadd.s32 $0x8400, s20;
	s14 =	sadd.s32 $0x9400, s20;
	v0 =	vsel vm13, $0x2200, v0;
	v1 =	vsel vm13, $0x6200, v1  }
0x10: {  	v3 =	vimm.f32 $0.0e+00;
	s15 =	sadd.s32 $0xA400, s20;
	s16 =	sadd.s32 $0xB400, s20;
	s17 =	sadd.s32 $0xC400, s20;
	v0 =	vsel vm14, $0x2280, v0;
	v2 =	vsel vm14, $0x6280, v1  }
0x11: {  	s18 =	sadd.s32 $0xD400, s20;
	s19 =	sadd.s32 $0xE400, s20;
	s20 =	sadd.s32 $0xF400, s20;
	v1 =	vimm.f32 $1.000000000e+00;
	v0 =	vsel vm15, $0x2300, v0;
	v2 =	vsel vm15, $0x6300, v2  }
.LBB2_1:
0x12: {  	[tilespmem:s3], [sflag:$0x4] =	stream.linear.gather [hbm4b:s4+s3], $0x200, $0x38;
	[tilespmem:$0x18200] =	vst v63  }
0x13: {  	_ =	swait.ge [sflag:s22], $0x200  }
0x14: {  	[sflag:s22] =	ssyncset.done $0x0  }
0x15: {  	[sflag:s22] =	ssyncadd.s32 $0xFFFFFE00  }
0x16: {  	[tilespmem:s23], [sflag:$0x4] =	stream.linear.gather [hbm4b:s0+s3], $0x8000, $0x38;
	[tilespmem:$0x18200] =	vst v63  }
0x17: {  	_ =	swait.ge [sflag:s22], $0x8000  }
0x18: {  	[sflag:s22] =	ssyncset.done $0x0  }
0x19: {  	[sflag:s22] =	ssyncadd.s32 $0xFFFF8000  }
0x1a: {  	[tilespmem:s24], [sflag:$0x4] =	stream.linear.gather [hbm4b:s0+s3], $0x8000, $0x38;
	[tilespmem:$0x18200] =	vst v63  }
0x1b: {  	_ =	swait.ge [sflag:s22], $0x8000  }
0x1c: {  	[sflag:s22] =	ssyncset.done $0x0  }
0x1d: {  	[sflag:s22] =	ssyncadd.s32 $0xFFFF8000  }
0x1e: {  	[tilespmem:s25], [sflag:$0x4] =	stream.linear.gather [hbm4b:s0+s3], $0x8000, $0x38;
	[tilespmem:$0x18200] =	vst v63  }
0x1f: {  	_ =	swait.ge [sflag:s22], $0x8000  }
0x20: {  	[sflag:s22] =	ssyncset.done $0x0  }
0x21: {  	[sflag:s22] =	ssyncadd.s32 $0xFFFF8000  }
0x22: {  	v4 =	vld [tilespmem:$0x0];
	_ =	sdelay $0x4  }
0x23: {  	v5 =	vshll.u32 v4, $0x3  }
0x24: {  	v4 =	vand.u32 $0x7F, v4;
	v5 =	vand.u32 $0xFFFFFC00, v5  }
0x25: {  	v4 =	vor.u32 v4, v5  }
0x26: {  	v4 =	vadd.s32 v0, v4;
	_ =	sdelay $0x4  }
0x27: {  	[tilespmem:v4+s23+$0x0] =	vst.idx.msk $0xffff, v1  }
0x28: {  	v4 =	vld [tilespmem:$0x10];
	_ =	sdelay $0x4  }
0x29: {  	v5 =	vshll.u32 v4, $0x3  }
0x2a: {  	v4 =	vand.u32 $0x7F, v4;
	v5 =	vand.u32 $0xFFFFFC00, v5  }
0x2b: {  	v4 =	vor.u32 v4, v5  }
0x2c: {  	v4 =	vadd.s32 v2, v4;
	_ =	sdelay $0x4  }
0x2d: {  	[tilespmem:v4+s23+$0x0] =	vst.idx.msk $0xffff, v1  }
0x2e: {  	[hbm4b:s5+s3] =	stream.linear.scatter [tilespmem:s23], [sflag:$0x1], $0x8000, $0x38;
	[tilespmem:$0x18200] =	vst v63  }
0x2f: {  	v4 =	vld [tilespmem:$0x20];
	_ =	sdelay $0x4  }
0x30: {  	v5 =	vshll.u32 v4, $0x3  }
0x31: {  	v4 =	vand.u32 $0x7F, v4;
	v5 =	vand.u32 $0xFFFFFC00, v5  }
0x32: {  	v4 =	vor.u32 v4, v5  }
0x33: {  	v4 =	vadd.s32 v0, v4;
	_ =	sdelay $0x4  }
0x34: {  	[tilespmem:v4+s24+$0x0] =	vst.idx.msk $0xffff, v1  }
0x35: {  	v4 =	vld [tilespmem:$0x30];
	_ =	sdelay $0x4  }
0x36: {  	v5 =	vshll.u32 v4, $0x3  }
0x37: {  	v4 =	vand.u32 $0x7F, v4;
	v5 =	vand.u32 $0xFFFFFC00, v5  }
0x38: {  	v4 =	vor.u32 v4, v5  }
0x39: {  	v4 =	vadd.s32 v2, v4;
	_ =	sdelay $0x4  }
0x3a: {  	[tilespmem:v4+s24+$0x0] =	vst.idx.msk $0xffff, v1  }
0x3b: {  	[hbm4b:s6+s3] =	stream.linear.scatter [tilespmem:s24], [sflag:$0x2], $0x8000, $0x38;
	[tilespmem:$0x18200] =	vst v63  }
0x3c: {  	v4 =	vld [tilespmem:$0x40];
	_ =	sdelay $0x4  }
0x3d: {  	v5 =	vshll.u32 v4, $0x3  }
0x3e: {  	v4 =	vand.u32 $0x7F, v4;
	v5 =	vand.u32 $0xFFFFFC00, v5  }
0x3f: {  	v4 =	vor.u32 v4, v5  }
0x40: {  	v4 =	vadd.s32 v0, v4;
	_ =	sdelay $0x4  }
0x41: {  	[tilespmem:v4+s25+$0x0] =	vst.idx.msk $0xffff, v1  }
0x42: {  	v4 =	vld [tilespmem:$0x50];
	_ =	sdelay $0x4  }
0x43: {  	v5 =	vshll.u32 v4, $0x3  }
0x44: {  	v4 =	vand.u32 $0x7F, v4;
	v5 =	vand.u32 $0xFFFFFC00, v5  }
0x45: {  	v4 =	vor.u32 v4, v5  }
0x46: {  	v4 =	vadd.s32 v2, v4;
	_ =	sdelay $0x4  }
0x47: {  	[tilespmem:v4+s25+$0x0] =	vst.idx.msk $0xffff, v1  }
0x48: {  	[hbm4b:s7+s3] =	stream.linear.scatter [tilespmem:s25], [sflag:$0x3], $0x8000, $0x38;
	[tilespmem:$0x18200] =	vst v63  }
0x49: {  	_ =	swait.ge [sflag:s26], $0x8000  }
0x4a: {  	[sflag:s26] =	ssyncset.done $0x0  }
0x4b: {  	[sflag:s26] =	ssyncadd.s32 $0xFFFF8000  }
0x4c: {  	v4 =	vld [tilespmem:$0x0];
	_ =	sdelay $0x4  }
0x4d: {  	v5 =	vshll.u32 v4, $0x3  }
0x4e: {  	v4 =	vand.u32 $0x7F, v4;
	v5 =	vand.u32 $0xFFFFFC00, v5  }
0x4f: {  	v4 =	vor.u32 v4, v5  }
0x50: {  	v4 =	vadd.s32 v0, v4;
	_ =	sdelay $0x4  }
0x51: {  	[tilespmem:v4+s23+$0x0] =	vst.idx.msk $0xffff, v3  }
0x52: {  	v4 =	vld [tilespmem:$0x10];
	_ =	sdelay $0x4  }
0x53: {  	v5 =	vshll.u32 v4, $0x3  }
0x54: {  	v4 =	vand.u32 $0x7F, v4;
	v5 =	vand.u32 $0xFFFFFC00, v5  }
0x55: {  	v4 =	vor.u32 v4, v5  }
0x56: {  	v4 =	vadd.s32 v2, v4;
	_ =	sdelay $0x4  }
0x57: {  	[tilespmem:v4+s23+$0x0] =	vst.idx.msk $0xffff, v3  }
0x58: {  	v4 =	vld [tilespmem:$0x60];
	_ =	sdelay $0x4  }
0x59: {  	v5 =	vshll.u32 v4, $0x3  }
0x5a: {  	v4 =	vand.u32 $0x7F, v4;
	v5 =	vand.u32 $0xFFFFFC00, v5  }
0x5b: {  	v4 =	vor.u32 v4, v5  }
0x5c: {  	v4 =	vadd.s32 v0, v4;
	_ =	sdelay $0x4  }
0x5d: {  	[tilespmem:v4+s23+$0x0] =	vst.idx.msk $0xffff, v1  }
0x5e: {  	v4 =	vld [tilespmem:$0x70];
	_ =	sdelay $0x4  }
0x5f: {  	v5 =	vshll.u32 v4, $0x3  }
0x60: {  	v4 =	vand.u32 $0x7F, v4;
	v5 =	vand.u32 $0xFFFFFC00, v5  }
0x61: {  	v4 =	vor.u32 v4, v5  }
0x62: {  	v4 =	vadd.s32 v2, v4;
	_ =	sdelay $0x4  }
0x63: {  	[tilespmem:v4+s23+$0x0] =	vst.idx.msk $0xffff, v1  }
0x64: {  	[hbm4b:s8+s3] =	stream.linear.scatter [tilespmem:s23], [sflag:$0x1], $0x8000, $0x38;
	[tilespmem:$0x18200] =	vst v63  }
0x65: {  	_ =	swait.ge [sflag:s28], $0x8000  }
0x66: {  	[sflag:s28] =	ssyncset.done $0x0  }
0x67: {  	[sflag:s28] =	ssyncadd.s32 $0xFFFF8000  }
0x68: {  	v4 =	vld [tilespmem:$0x20];
	_ =	sdelay $0x4  }
0x69: {  	v5 =	vshll.u32 v4, $0x3  }
0x6a: {  	v4 =	vand.u32 $0x7F, v4;
	v5 =	vand.u32 $0xFFFFFC00, v5  }
0x6b: {  	v4 =	vor.u32 v4, v5  }
0x6c: {  	v4 =	vadd.s32 v0, v4;
	_ =	sdelay $0x4  }
0x6d: {  	[tilespmem:v4+s24+$0x0] =	vst.idx.msk $0xffff, v3  }
0x6e: {  	v4 =	vld [tilespmem:$0x30];
	_ =	sdelay $0x4  }
0x6f: {  	v5 =	vshll.u32 v4, $0x3  }
0x70: {  	v4 =	vand.u32 $0x7F, v4;
	v5 =	vand.u32 $0xFFFFFC00, v5  }
0x71: {  	v4 =	vor.u32 v4, v5  }
0x72: {  	v4 =	vadd.s32 v2, v4;
	_ =	sdelay $0x4  }
0x73: {  	[tilespmem:v4+s24+$0x0] =	vst.idx.msk $0xffff, v3  }
0x74: {  	v4 =	vld [tilespmem:$0x80];
	_ =	sdelay $0x4  }
0x75: {  	v5 =	vshll.u32 v4, $0x3  }
0x76: {  	v4 =	vand.u32 $0x7F, v4;
	v5 =	vand.u32 $0xFFFFFC00, v5  }
0x77: {  	v4 =	vor.u32 v4, v5  }
0x78: {  	v4 =	vadd.s32 v0, v4;
	_ =	sdelay $0x4  }
0x79: {  	[tilespmem:v4+s24+$0x0] =	vst.idx.msk $0xffff, v1  }
0x7a: {  	v4 =	vld [tilespmem:$0x90];
	_ =	sdelay $0x4  }
0x7b: {  	v5 =	vshll.u32 v4, $0x3  }
0x7c: {  	v4 =	vand.u32 $0x7F, v4;
	v5 =	vand.u32 $0xFFFFFC00, v5  }
0x7d: {  	v4 =	vor.u32 v4, v5  }
0x7e: {  	v4 =	vadd.s32 v2, v4;
	_ =	sdelay $0x4  }
0x7f: {  	[tilespmem:v4+s24+$0x0] =	vst.idx.msk $0xffff, v1  }
0x80: {  	[hbm4b:s9+s3] =	stream.linear.scatter [tilespmem:s24], [sflag:$0x2], $0x8000, $0x38;
	[tilespmem:$0x18200] =	vst v63  }
0x81: {  	_ =	swait.ge [sflag:s29], $0x8000  }
0x82: {  	[sflag:s29] =	ssyncset.done $0x0  }
0x83: {  	[sflag:s29] =	ssyncadd.s32 $0xFFFF8000  }
0x84: {  	v4 =	vld [tilespmem:$0x40];
	_ =	sdelay $0x4  }
0x85: {  	v5 =	vshll.u32 v4, $0x3  }
0x86: {  	v4 =	vand.u32 $0x7F, v4;
	v5 =	vand.u32 $0xFFFFFC00, v5  }
0x87: {  	v4 =	vor.u32 v4, v5  }
0x88: {  	v4 =	vadd.s32 v0, v4;
	_ =	sdelay $0x4  }
0x89: {  	[tilespmem:v4+s25+$0x0] =	vst.idx.msk $0xffff, v3  }
0x8a: {  	v4 =	vld [tilespmem:$0x50];
	_ =	sdelay $0x4  }
0x8b: {  	v5 =	vshll.u32 v4, $0x3  }
0x8c: {  	v4 =	vand.u32 $0x7F, v4;
	v5 =	vand.u32 $0xFFFFFC00, v5  }
0x8d: {  	v4 =	vor.u32 v4, v5  }
0x8e: {  	v4 =	vadd.s32 v2, v4;
	_ =	sdelay $0x4  }
0x8f: {  	[tilespmem:v4+s25+$0x0] =	vst.idx.msk $0xffff, v3  }
0x90: {  	v4 =	vld [tilespmem:$0xA0];
	_ =	sdelay $0x4  }
0x91: {  	v5 =	vshll.u32 v4, $0x3  }
0x92: {  	v4 =	vand.u32 $0x7F, v4;
	v5 =	vand.u32 $0xFFFFFC00, v5  }
0x93: {  	v4 =	vor.u32 v4, v5  }
0x94: {  	v4 =	vadd.s32 v0, v4;
	_ =	sdelay $0x4  }
0x95: {  	[tilespmem:v4+s25+$0x0] =	vst.idx.msk $0xffff, v1  }
0x96: {  	v4 =	vld [tilespmem:$0xB0];
	_ =	sdelay $0x4  }
0x97: {  	v5 =	vshll.u32 v4, $0x3  }
0x98: {  	v4 =	vand.u32 $0x7F, v4;
	v5 =	vand.u32 $0xFFFFFC00, v5  }
0x99: {  	v4 =	vor.u32 v4, v5  }
0x9a: {  	v4 =	vadd.s32 v2, v4;
	_ =	sdelay $0x4  }
0x9b: {  	[tilespmem:v4+s25+$0x0] =	vst.idx.msk $0xffff, v1  }
0x9c: {  	[hbm4b:s10+s3] =	stream.linear.scatter [tilespmem:s25], [sflag:$0x3], $0x8000, $0x38;
	[tilespmem:$0x18200] =	vst v63  }
0x9d: {  	_ =	swait.ge [sflag:s26], $0x8000  }
0x9e: {  	[sflag:s26] =	ssyncset.done $0x0  }
0x9f: {  	[sflag:s26] =	ssyncadd.s32 $0xFFFF8000  }
0xa0: {  	v4 =	vld [tilespmem:$0x60];
	_ =	sdelay $0x4  }
0xa1: {  	v5 =	vshll.u32 v4, $0x3  }
0xa2: {  	v4 =	vand.u32 $0x7F, v4;
	v5 =	vand.u32 $0xFFFFFC00, v5  }
0xa3: {  	v4 =	vor.u32 v4, v5  }
0xa4: {  	v4 =	vadd.s32 v0, v4;
	_ =	sdelay $0x4  }
0xa5: {  	[tilespmem:v4+s23+$0x0] =	vst.idx.msk $0xffff, v3  }
0xa6: {  	v4 =	vld [tilespmem:$0x70];
	_ =	sdelay $0x4  }
0xa7: {  	v5 =	vshll.u32 v4, $0x3  }
0xa8: {  	v4 =	vand.u32 $0x7F, v4;
	v5 =	vand.u32 $0xFFFFFC00, v5  }
0xa9: {  	v4 =	vor.u32 v4, v5  }
0xaa: {  	v4 =	vadd.s32 v2, v4;
	_ =	sdelay $0x4  }
0xab: {  	[tilespmem:v4+s23+$0x0] =	vst.idx.msk $0xffff, v3  }
0xac: {  	v4 =	vld [tilespmem:$0xC0];
	_ =	sdelay $0x4  }
0xad: {  	v5 =	vshll.u32 v4, $0x3  }
0xae: {  	v4 =	vand.u32 $0x7F, v4;
	v5 =	vand.u32 $0xFFFFFC00, v5  }
0xaf: {  	v4 =	vor.u32 v4, v5  }
0xb0: {  	v4 =	vadd.s32 v0, v4;
	_ =	sdelay $0x4  }
0xb1: {  	[tilespmem:v4+s23+$0x0] =	vst.idx.msk $0xffff, v1  }
0xb2: {  	v4 =	vld [tilespmem:$0xD0];
	_ =	sdelay $0x4  }
0xb3: {  	v5 =	vshll.u32 v4, $0x3  }
0xb4: {  	v4 =	vand.u32 $0x7F, v4;
	v5 =	vand.u32 $0xFFFFFC00, v5  }
0xb5: {  	v4 =	vor.u32 v4, v5  }
0xb6: {  	v4 =	vadd.s32 v2, v4;
	_ =	sdelay $0x4  }
0xb7: {  	[tilespmem:v4+s23+$0x0] =	vst.idx.msk $0xffff, v1  }
0xb8: {  	[hbm4b:s11+s3] =	stream.linear.scatter [tilespmem:s23], [sflag:$0x1], $0x8000, $0x38;
	[tilespmem:$0x18200] =	vst v63  }
0xb9: {  	_ =	swait.ge [sflag:s28], $0x8000  }
0xba: {  	[sflag:s28] =	ssyncset.done $0x0  }
0xbb: {  	[sflag:s28] =	ssyncadd.s32 $0xFFFF8000  }
0xbc: {  	v4 =	vld [tilespmem:$0x80];
	_ =	sdelay $0x4  }
0xbd: {  	v5 =	vshll.u32 v4, $0x3  }
0xbe: {  	v4 =	vand.u32 $0x7F, v4;
	v5 =	vand.u32 $0xFFFFFC00, v5  }
0xbf: {  	v4 =	vor.u32 v4, v5  }
0xc0: {  	v4 =	vadd.s32 v0, v4;
	_ =	sdelay $0x4  }
0xc1: {  	[tilespmem:v4+s24+$0x0] =	vst.idx.msk $0xffff, v3  }
0xc2: {  	v4 =	vld [tilespmem:$0x90];
	_ =	sdelay $0x4  }
0xc3: {  	v5 =	vshll.u32 v4, $0x3  }
0xc4: {  	v4 =	vand.u32 $0x7F, v4;
	v5 =	vand.u32 $0xFFFFFC00, v5  }
0xc5: {  	v4 =	vor.u32 v4, v5  }
0xc6: {  	v4 =	vadd.s32 v2, v4;
	_ =	sdelay $0x4  }
0xc7: {  	[tilespmem:v4+s24+$0x0] =	vst.idx.msk $0xffff, v3  }
0xc8: {  	v4 =	vld [tilespmem:$0xE0];
	_ =	sdelay $0x4  }
0xc9: {  	v5 =	vshll.u32 v4, $0x3  }
0xca: {  	v4 =	vand.u32 $0x7F, v4;
	v5 =	vand.u32 $0xFFFFFC00, v5  }
0xcb: {  	v4 =	vor.u32 v4, v5  }
0xcc: {  	v4 =	vadd.s32 v0, v4;
	_ =	sdelay $0x4  }
0xcd: {  	[tilespmem:v4+s24+$0x0] =	vst.idx.msk $0xffff, v1  }
0xce: {  	v4 =	vld [tilespmem:$0xF0];
	_ =	sdelay $0x4  }
0xcf: {  	v5 =	vshll.u32 v4, $0x3  }
0xd0: {  	v4 =	vand.u32 $0x7F, v4;
	v5 =	vand.u32 $0xFFFFFC00, v5  }
0xd1: {  	v4 =	vor.u32 v4, v5  }
0xd2: {  	v4 =	vadd.s32 v2, v4;
	_ =	sdelay $0x4  }
0xd3: {  	[tilespmem:v4+s24+$0x0] =	vst.idx.msk $0xffff, v1  }
0xd4: {  	[hbm4b:s12+s3] =	stream.linear.scatter [tilespmem:s24], [sflag:$0x2], $0x8000, $0x38;
	[tilespmem:$0x18200] =	vst v63  }
0xd5: {  	_ =	swait.ge [sflag:s29], $0x8000  }
0xd6: {  	[sflag:s29] =	ssyncset.done $0x0  }
0xd7: {  	[sflag:s29] =	ssyncadd.s32 $0xFFFF8000  }
0xd8: {  	v4 =	vld [tilespmem:$0xA0];
	_ =	sdelay $0x4  }
0xd9: {  	v5 =	vshll.u32 v4, $0x3  }
0xda: {  	v4 =	vand.u32 $0x7F, v4;
	v5 =	vand.u32 $0xFFFFFC00, v5  }
0xdb: {  	v4 =	vor.u32 v4, v5  }
0xdc: {  	v4 =	vadd.s32 v0, v4;
	_ =	sdelay $0x4  }
0xdd: {  	[tilespmem:v4+s25+$0x0] =	vst.idx.msk $0xffff, v3  }
0xde: {  	v4 =	vld [tilespmem:$0xB0];
	_ =	sdelay $0x4  }
0xdf: {  	v5 =	vshll.u32 v4, $0x3  }
0xe0: {  	v4 =	vand.u32 $0x7F, v4;
	v5 =	vand.u32 $0xFFFFFC00, v5  }
0xe1: {  	v4 =	vor.u32 v4, v5  }
0xe2: {  	v4 =	vadd.s32 v2, v4;
	_ =	sdelay $0x4  }
0xe3: {  	[tilespmem:v4+s25+$0x0] =	vst.idx.msk $0xffff, v3  }
0xe4: {  	v4 =	vld [tilespmem:$0x100];
	_ =	sdelay $0x4  }
0xe5: {  	v5 =	vshll.u32 v4, $0x3  }
0xe6: {  	v4 =	vand.u32 $0x7F, v4;
	v5 =	vand.u32 $0xFFFFFC00, v5  }
0xe7: {  	v4 =	vor.u32 v4, v5  }
0xe8: {  	v4 =	vadd.s32 v0, v4;
	_ =	sdelay $0x4  }
0xe9: {  	[tilespmem:v4+s25+$0x0] =	vst.idx.msk $0xffff, v1  }
0xea: {  	v4 =	vld [tilespmem:$0x110];
	_ =	sdelay $0x4  }
0xeb: {  	v5 =	vshll.u32 v4, $0x3  }
0xec: {  	v4 =	vand.u32 $0x7F, v4;
	v5 =	vand.u32 $0xFFFFFC00, v5  }
0xed: {  	v4 =	vor.u32 v4, v5  }
0xee: {  	v4 =	vadd.s32 v2, v4;
	_ =	sdelay $0x4  }
0xef: {  	[tilespmem:v4+s25+$0x0] =	vst.idx.msk $0xffff, v1  }
0xf0: {  	[hbm4b:s13+s3] =	stream.linear.scatter [tilespmem:s25], [sflag:$0x3], $0x8000, $0x38;
	[tilespmem:$0x18200] =	vst v63  }
0xf1: {  	_ =	swait.ge [sflag:s26], $0x8000  }
0xf2: {  	[sflag:s26] =	ssyncset.done $0x0  }
0xf3: {  	[sflag:s26] =	ssyncadd.s32 $0xFFFF8000  }
0xf4: {  	v4 =	vld [tilespmem:$0xC0];
	_ =	sdelay $0x4  }
0xf5: {  	v5 =	vshll.u32 v4, $0x3  }
0xf6: {  	v4 =	vand.u32 $0x7F, v4;
	v5 =	vand.u32 $0xFFFFFC00, v5  }
0xf7: {  	v4 =	vor.u32 v4, v5  }
0xf8: {  	v4 =	vadd.s32 v0, v4;
	_ =	sdelay $0x4  }
0xf9: {  	[tilespmem:v4+s23+$0x0] =	vst.idx.msk $0xffff, v3  }
0xfa: {  	v4 =	vld [tilespmem:$0xD0];
	_ =	sdelay $0x4  }
0xfb: {  	v5 =	vshll.u32 v4, $0x3  }
0xfc: {  	v4 =	vand.u32 $0x7F, v4;
	v5 =	vand.u32 $0xFFFFFC00, v5  }
0xfd: {  	v4 =	vor.u32 v4, v5  }
0xfe: {  	v4 =	vadd.s32 v2, v4;
	_ =	sdelay $0x4  }
0xff: {  	[tilespmem:v4+s23+$0x0] =	vst.idx.msk $0xffff, v3  }
0x100: {  	v4 =	vld [tilespmem:$0x120];
	_ =	sdelay $0x4  }
0x101: {  	v5 =	vshll.u32 v4, $0x3  }
0x102: {  	v4 =	vand.u32 $0x7F, v4;
	v5 =	vand.u32 $0xFFFFFC00, v5  }
0x103: {  	v4 =	vor.u32 v4, v5  }
0x104: {  	v4 =	vadd.s32 v0, v4;
	_ =	sdelay $0x4  }
0x105: {  	[tilespmem:v4+s23+$0x0] =	vst.idx.msk $0xffff, v1  }
0x106: {  	v4 =	vld [tilespmem:$0x130];
	_ =	sdelay $0x4  }
0x107: {  	v5 =	vshll.u32 v4, $0x3  }
0x108: {  	v4 =	vand.u32 $0x7F, v4;
	v5 =	vand.u32 $0xFFFFFC00, v5  }
0x109: {  	v4 =	vor.u32 v4, v5  }
0x10a: {  	v4 =	vadd.s32 v2, v4;
	_ =	sdelay $0x4  }
0x10b: {  	[tilespmem:v4+s23+$0x0] =	vst.idx.msk $0xffff, v1  }
0x10c: {  	[hbm4b:s14+s3] =	stream.linear.scatter [tilespmem:s23], [sflag:$0x1], $0x8000, $0x38;
	[tilespmem:$0x18200] =	vst v63  }
0x10d: {  	_ =	swait.ge [sflag:s28], $0x8000  }
0x10e: {  	[sflag:s28] =	ssyncset.done $0x0  }
0x10f: {  	[sflag:s28] =	ssyncadd.s32 $0xFFFF8000  }
0x110: {  	v4 =	vld [tilespmem:$0xE0];
	_ =	sdelay $0x4  }
0x111: {  	v5 =	vshll.u32 v4, $0x3  }
0x112: {  	v4 =	vand.u32 $0x7F, v4;
	v5 =	vand.u32 $0xFFFFFC00, v5  }
0x113: {  	v4 =	vor.u32 v4, v5  }
0x114: {  	v4 =	vadd.s32 v0, v4;
	_ =	sdelay $0x4  }
0x115: {  	[tilespmem:v4+s24+$0x0] =	vst.idx.msk $0xffff, v3  }
0x116: {  	v4 =	vld [tilespmem:$0xF0];
	_ =	sdelay $0x4  }
0x117: {  	v5 =	vshll.u32 v4, $0x3  }
0x118: {  	v4 =	vand.u32 $0x7F, v4;
	v5 =	vand.u32 $0xFFFFFC00, v5  }
0x119: {  	v4 =	vor.u32 v4, v5  }
0x11a: {  	v4 =	vadd.s32 v2, v4;
	_ =	sdelay $0x4  }
0x11b: {  	[tilespmem:v4+s24+$0x0] =	vst.idx.msk $0xffff, v3  }
0x11c: {  	v4 =	vld [tilespmem:$0x140];
	_ =	sdelay $0x4  }
0x11d: {  	v5 =	vshll.u32 v4, $0x3  }
0x11e: {  	v4 =	vand.u32 $0x7F, v4;
	v5 =	vand.u32 $0xFFFFFC00, v5  }
0x11f: {  	v4 =	vor.u32 v4, v5  }
0x120: {  	v4 =	vadd.s32 v0, v4;
	_ =	sdelay $0x4  }
0x121: {  	[tilespmem:v4+s24+$0x0] =	vst.idx.msk $0xffff, v1  }
0x122: {  	v4 =	vld [tilespmem:$0x150];
	_ =	sdelay $0x4  }
0x123: {  	v5 =	vshll.u32 v4, $0x3  }
0x124: {  	v4 =	vand.u32 $0x7F, v4;
	v5 =	vand.u32 $0xFFFFFC00, v5  }
0x125: {  	v4 =	vor.u32 v4, v5  }
0x126: {  	v4 =	vadd.s32 v2, v4;
	_ =	sdelay $0x4  }
0x127: {  	[tilespmem:v4+s24+$0x0] =	vst.idx.msk $0xffff, v1  }
0x128: {  	[hbm4b:s15+s3] =	stream.linear.scatter [tilespmem:s24], [sflag:$0x2], $0x8000, $0x38;
	[tilespmem:$0x18200] =	vst v63  }
0x129: {  	_ =	swait.ge [sflag:s29], $0x8000  }
0x12a: {  	[sflag:s29] =	ssyncset.done $0x0  }
0x12b: {  	[sflag:s29] =	ssyncadd.s32 $0xFFFF8000  }
0x12c: {  	v4 =	vld [tilespmem:$0x100];
	_ =	sdelay $0x4  }
0x12d: {  	v5 =	vshll.u32 v4, $0x3  }
0x12e: {  	v4 =	vand.u32 $0x7F, v4;
	v5 =	vand.u32 $0xFFFFFC00, v5  }
0x12f: {  	v4 =	vor.u32 v4, v5  }
0x130: {  	v4 =	vadd.s32 v0, v4;
	_ =	sdelay $0x4  }
0x131: {  	[tilespmem:v4+s25+$0x0] =	vst.idx.msk $0xffff, v3  }
0x132: {  	v4 =	vld [tilespmem:$0x110];
	_ =	sdelay $0x4  }
0x133: {  	v5 =	vshll.u32 v4, $0x3  }
0x134: {  	v4 =	vand.u32 $0x7F, v4;
	v5 =	vand.u32 $0xFFFFFC00, v5  }
0x135: {  	v4 =	vor.u32 v4, v5  }
0x136: {  	v4 =	vadd.s32 v2, v4;
	_ =	sdelay $0x4  }
0x137: {  	[tilespmem:v4+s25+$0x0] =	vst.idx.msk $0xffff, v3  }
0x138: {  	v4 =	vld [tilespmem:$0x160];
	_ =	sdelay $0x4  }
0x139: {  	v5 =	vshll.u32 v4, $0x3  }
0x13a: {  	v4 =	vand.u32 $0x7F, v4;
	v5 =	vand.u32 $0xFFFFFC00, v5  }
0x13b: {  	v4 =	vor.u32 v4, v5  }
0x13c: {  	v4 =	vadd.s32 v0, v4;
	_ =	sdelay $0x4  }
0x13d: {  	[tilespmem:v4+s25+$0x0] =	vst.idx.msk $0xffff, v1  }
0x13e: {  	v4 =	vld [tilespmem:$0x170];
	_ =	sdelay $0x4  }
0x13f: {  	v5 =	vshll.u32 v4, $0x3  }
0x140: {  	v4 =	vand.u32 $0x7F, v4;
	v5 =	vand.u32 $0xFFFFFC00, v5  }
0x141: {  	v4 =	vor.u32 v4, v5  }
0x142: {  	v4 =	vadd.s32 v2, v4;
	_ =	sdelay $0x4  }
0x143: {  	[tilespmem:v4+s25+$0x0] =	vst.idx.msk $0xffff, v1  }
0x144: {  	[hbm4b:s16+s3] =	stream.linear.scatter [tilespmem:s25], [sflag:$0x3], $0x8000, $0x38;
	[tilespmem:$0x18200] =	vst v63  }
0x145: {  	_ =	swait.ge [sflag:s26], $0x8000  }
0x146: {  	[sflag:s26] =	ssyncset.done $0x0  }
0x147: {  	[sflag:s26] =	ssyncadd.s32 $0xFFFF8000  }
0x148: {  	v4 =	vld [tilespmem:$0x120];
	_ =	sdelay $0x4  }
0x149: {  	v5 =	vshll.u32 v4, $0x3  }
0x14a: {  	v4 =	vand.u32 $0x7F, v4;
	v5 =	vand.u32 $0xFFFFFC00, v5  }
0x14b: {  	v4 =	vor.u32 v4, v5  }
0x14c: {  	v4 =	vadd.s32 v0, v4;
	_ =	sdelay $0x4  }
0x14d: {  	[tilespmem:v4+s23+$0x0] =	vst.idx.msk $0xffff, v3  }
0x14e: {  	v4 =	vld [tilespmem:$0x130];
	_ =	sdelay $0x4  }
0x14f: {  	v5 =	vshll.u32 v4, $0x3  }
0x150: {  	v4 =	vand.u32 $0x7F, v4;
	v5 =	vand.u32 $0xFFFFFC00, v5  }
0x151: {  	v4 =	vor.u32 v4, v5  }
0x152: {  	v4 =	vadd.s32 v2, v4;
	_ =	sdelay $0x4  }
0x153: {  	[tilespmem:v4+s23+$0x0] =	vst.idx.msk $0xffff, v3  }
0x154: {  	v4 =	vld [tilespmem:$0x180];
	_ =	sdelay $0x4  }
0x155: {  	v5 =	vshll.u32 v4, $0x3  }
0x156: {  	v4 =	vand.u32 $0x7F, v4;
	v5 =	vand.u32 $0xFFFFFC00, v5  }
0x157: {  	v4 =	vor.u32 v4, v5  }
0x158: {  	v4 =	vadd.s32 v0, v4;
	_ =	sdelay $0x4  }
0x159: {  	[tilespmem:v4+s23+$0x0] =	vst.idx.msk $0xffff, v1  }
0x15a: {  	v4 =	vld [tilespmem:$0x190];
	_ =	sdelay $0x4  }
0x15b: {  	v5 =	vshll.u32 v4, $0x3  }
0x15c: {  	v4 =	vand.u32 $0x7F, v4;
	v5 =	vand.u32 $0xFFFFFC00, v5  }
0x15d: {  	v4 =	vor.u32 v4, v5  }
0x15e: {  	v4 =	vadd.s32 v2, v4;
	_ =	sdelay $0x4  }
0x15f: {  	[tilespmem:v4+s23+$0x0] =	vst.idx.msk $0xffff, v1  }
0x160: {  	[hbm4b:s17+s3] =	stream.linear.scatter [tilespmem:s23], [sflag:$0x1], $0x8000, $0x38;
	[tilespmem:$0x18200] =	vst v63  }
0x161: {  	_ =	swait.ge [sflag:s28], $0x8000  }
0x162: {  	[sflag:s28] =	ssyncset.done $0x0  }
0x163: {  	[sflag:s28] =	ssyncadd.s32 $0xFFFF8000  }
0x164: {  	v4 =	vld [tilespmem:$0x140];
	_ =	sdelay $0x4  }
0x165: {  	v5 =	vshll.u32 v4, $0x3  }
0x166: {  	v4 =	vand.u32 $0x7F, v4;
	v5 =	vand.u32 $0xFFFFFC00, v5  }
0x167: {  	v4 =	vor.u32 v4, v5  }
0x168: {  	v4 =	vadd.s32 v0, v4;
	_ =	sdelay $0x4  }
0x169: {  	[tilespmem:v4+s24+$0x0] =	vst.idx.msk $0xffff, v3  }
0x16a: {  	v4 =	vld [tilespmem:$0x150];
	_ =	sdelay $0x4  }
0x16b: {  	v5 =	vshll.u32 v4, $0x3  }
0x16c: {  	v4 =	vand.u32 $0x7F, v4;
	v5 =	vand.u32 $0xFFFFFC00, v5  }
0x16d: {  	v4 =	vor.u32 v4, v5  }
0x16e: {  	v4 =	vadd.s32 v2, v4;
	_ =	sdelay $0x4  }
0x16f: {  	[tilespmem:v4+s24+$0x0] =	vst.idx.msk $0xffff, v3  }
0x170: {  	v4 =	vld [tilespmem:$0x1A0];
	_ =	sdelay $0x4  }
0x171: {  	v5 =	vshll.u32 v4, $0x3  }
0x172: {  	v4 =	vand.u32 $0x7F, v4;
	v5 =	vand.u32 $0xFFFFFC00, v5  }
0x173: {  	v4 =	vor.u32 v4, v5  }
0x174: {  	v4 =	vadd.s32 v0, v4;
	_ =	sdelay $0x4  }
0x175: {  	[tilespmem:v4+s24+$0x0] =	vst.idx.msk $0xffff, v1  }
0x176: {  	v4 =	vld [tilespmem:$0x1B0];
	_ =	sdelay $0x4  }
0x177: {  	v5 =	vshll.u32 v4, $0x3  }
0x178: {  	v4 =	vand.u32 $0x7F, v4;
	v5 =	vand.u32 $0xFFFFFC00, v5  }
0x179: {  	v4 =	vor.u32 v4, v5  }
0x17a: {  	v4 =	vadd.s32 v2, v4;
	_ =	sdelay $0x4  }
0x17b: {  	[tilespmem:v4+s24+$0x0] =	vst.idx.msk $0xffff, v1  }
0x17c: {  	[hbm4b:s18+s3] =	stream.linear.scatter [tilespmem:s24], [sflag:$0x2], $0x8000, $0x38;
	[tilespmem:$0x18200] =	vst v63  }
0x17d: {  	_ =	swait.ge [sflag:s29], $0x8000  }
0x17e: {  	[sflag:s29] =	ssyncset.done $0x0  }
0x17f: {  	[sflag:s29] =	ssyncadd.s32 $0xFFFF8000  }
0x180: {  	v4 =	vld [tilespmem:$0x160];
	_ =	sdelay $0x4  }
0x181: {  	v5 =	vshll.u32 v4, $0x3  }
0x182: {  	v4 =	vand.u32 $0x7F, v4;
	v5 =	vand.u32 $0xFFFFFC00, v5  }
0x183: {  	v4 =	vor.u32 v4, v5  }
0x184: {  	v4 =	vadd.s32 v0, v4;
	_ =	sdelay $0x4  }
0x185: {  	[tilespmem:v4+s25+$0x0] =	vst.idx.msk $0xffff, v3  }
0x186: {  	v4 =	vld [tilespmem:$0x170];
	_ =	sdelay $0x4  }
0x187: {  	v5 =	vshll.u32 v4, $0x3  }
0x188: {  	v4 =	vand.u32 $0x7F, v4;
	v5 =	vand.u32 $0xFFFFFC00, v5  }
0x189: {  	v4 =	vor.u32 v4, v5  }
0x18a: {  	v4 =	vadd.s32 v2, v4;
	_ =	sdelay $0x4  }
0x18b: {  	[tilespmem:v4+s25+$0x0] =	vst.idx.msk $0xffff, v3  }
0x18c: {  	v4 =	vld [tilespmem:$0x1C0];
	_ =	sdelay $0x4  }
0x18d: {  	v5 =	vshll.u32 v4, $0x3  }
0x18e: {  	v4 =	vand.u32 $0x7F, v4;
	v5 =	vand.u32 $0xFFFFFC00, v5  }
0x18f: {  	v4 =	vor.u32 v4, v5  }
0x190: {  	v4 =	vadd.s32 v0, v4;
	_ =	sdelay $0x4  }
0x191: {  	[tilespmem:v4+s25+$0x0] =	vst.idx.msk $0xffff, v1  }
0x192: {  	v4 =	vld [tilespmem:$0x1D0];
	_ =	sdelay $0x4  }
0x193: {  	v5 =	vshll.u32 v4, $0x3  }
0x194: {  	v4 =	vand.u32 $0x7F, v4;
	v5 =	vand.u32 $0xFFFFFC00, v5  }
0x195: {  	v4 =	vor.u32 v4, v5  }
0x196: {  	v4 =	vadd.s32 v2, v4;
	_ =	sdelay $0x4  }
0x197: {  	[tilespmem:v4+s25+$0x0] =	vst.idx.msk $0xffff, v1  }
0x198: {  	[hbm4b:s19+s3] =	stream.linear.scatter [tilespmem:s25], [sflag:$0x3], $0x8000, $0x38;
	[tilespmem:$0x18200] =	vst v63  }
0x199: {  	_ =	swait.ge [sflag:s26], $0x8000  }
0x19a: {  	[sflag:s26] =	ssyncset.done $0x0  }
0x19b: {  	[sflag:s26] =	ssyncadd.s32 $0xFFFF8000  }
0x19c: {  	v4 =	vld [tilespmem:$0x180];
	_ =	sdelay $0x4  }
0x19d: {  	v5 =	vshll.u32 v4, $0x3  }
0x19e: {  	v4 =	vand.u32 $0x7F, v4;
	v5 =	vand.u32 $0xFFFFFC00, v5  }
0x19f: {  	v4 =	vor.u32 v4, v5  }
0x1a0: {  	v4 =	vadd.s32 v0, v4;
	_ =	sdelay $0x4  }
0x1a1: {  	[tilespmem:v4+s23+$0x0] =	vst.idx.msk $0xffff, v3  }
0x1a2: {  	v4 =	vld [tilespmem:$0x190];
	_ =	sdelay $0x4  }
0x1a3: {  	v5 =	vshll.u32 v4, $0x3  }
0x1a4: {  	v4 =	vand.u32 $0x7F, v4;
	v5 =	vand.u32 $0xFFFFFC00, v5  }
0x1a5: {  	v4 =	vor.u32 v4, v5  }
0x1a6: {  	v4 =	vadd.s32 v2, v4;
	_ =	sdelay $0x4  }
0x1a7: {  	[tilespmem:v4+s23+$0x0] =	vst.idx.msk $0xffff, v3  }
0x1a8: {  	v4 =	vld [tilespmem:$0x1E0];
	_ =	sdelay $0x4  }
0x1a9: {  	v5 =	vshll.u32 v4, $0x3  }
0x1aa: {  	v4 =	vand.u32 $0x7F, v4;
	v5 =	vand.u32 $0xFFFFFC00, v5  }
0x1ab: {  	v4 =	vor.u32 v4, v5  }
0x1ac: {  	v4 =	vadd.s32 v0, v4;
	_ =	sdelay $0x4  }
0x1ad: {  	[tilespmem:v4+s23+$0x0] =	vst.idx.msk $0xffff, v1  }
0x1ae: {  	v4 =	vld [tilespmem:$0x1F0];
	_ =	sdelay $0x4  }
0x1af: {  	v5 =	vshll.u32 v4, $0x3  }
0x1b0: {  	v4 =	vand.u32 $0x7F, v4;
	v5 =	vand.u32 $0xFFFFFC00, v5  }
0x1b1: {  	v4 =	vor.u32 v4, v5  }
0x1b2: {  	v4 =	vadd.s32 v2, v4;
	_ =	sdelay $0x4  }
0x1b3: {  	[tilespmem:v4+s23+$0x0] =	vst.idx.msk $0xffff, v1  }
0x1b4: {  	[hbm4b:s20+s3] =	stream.linear.scatter [tilespmem:s23], [sflag:$0x1], $0x8000, $0x38;
	[tilespmem:$0x18200] =	vst v63  }
0x1b5: {  	_ =	swait.ge [sflag:s28], $0x8000  }
0x1b6: {  	[sflag:s28] =	ssyncset.done $0x0  }
0x1b7: {  	[sflag:s28] =	ssyncadd.s32 $0xFFFF8000  }
0x1b8: {  	p0 =	sne.s32 s21, $0x1;
	_ =	swait.ge [sflag:s29], $0x8000  }
.Ltmp0:
0x1b9: {  	[sflag:s29] =	ssyncset.done $0x0;
	(pc) =	sbr.rel @p0 .LBB2_1-.Ltmp0, $4  }
0x1ba: {  	[sflag:s29] =	ssyncadd.s32 $0xFFFF8000  }
0x1bb: {  	_ =	swait.ge [sflag:s26], $0x8000  }
0x1bc: {  	[sflag:s26] =	ssyncset.done $0x0  }
0x1bd: {  	s21 =	sadd.s32 $0xFFFFFFFF, s21;
	[sflag:s26] =	ssyncadd.s32 $0xFFFF8000  }
0x1be: {  	_ =	sfence.sel $0x180000  }
0x1bf: {  	[bflag:$0x0] =	sbarrier.arrive $0xFFFF  }
0x1c0: {  	p0 =	sne.s32 s2, $0x0;
	_ =	strace $0x90000047  }
0x1c1: {  	s0 =	sadd.s32 @!p0 $0x100000, s1;
	[bflag:$0x2] =	sbarrier.arrive $0xFFFF  }
0x1c2: {  	[sflag:s0] =	ssyncadd.tile.s32 @!p0 $0x1;
	_ =	shalt  }
.Lfunc_end2:
_tile_overlayer_lowered:
.L_overlay_start_2:
0x1c3: {  	(tag) =	ssettag $0x2  }
0x1c4: {  	s0 =	rddreg [dreg:$0x0];
	s2 =	stileid.u32  }
0x1c5: {  	s1 =	rddreg [dreg:$0x1];
	p0 =	sne.s32 s2, $0x0  }
0x1c6: {  	s3 =	rddreg [dreg:$0x2];
	[bflag:$0x3] =	sbarrier.arrive $0xFFFF;
	s2 =	simm.s32 @!p0 $0x1C04  }
0x1c7: {  	[timem:s3], [sflag:s2] =	dma.local @!p0 [hbm:s0], s1  }
0x1c8: {  	s0 =	simm.s32 @!p0 $0x4  }
0x1c9: {  	_ =	swait.ge @!p0 [sflag:s0], s1  }
0x1ca: {  	s1 =	ssub.s32 @!p0 $0x0, s1;
	[sflag:s0] =	ssyncset.done @!p0 $0x0  }
0x1cb: {  	[sflag:s0] =	ssyncadd.s32 @!p0 s1  }
0x1cc: {  	[bflag:$0x3] =	sbarrier.arrive $0xFFFF  }
0x1cd: {  	_ =	shalt  }

</sc_bundles>
